<compile_context>
chip_gen: v7x
topology: tpu7x:2x2x1
jax: 0.10.2.dev20260603
libtpu: 0.0.44.dev20260713+nightly
codegen_flags: <defaults>
</compile_context>

<pallas_src>
import jax
import jax.numpy as jnp
import numpy as np
from jax import lax
from jax.experimental import pallas as pl
from jax.experimental.pallas import tpu as pltpu
from jax.experimental.pallas import tpu_sc as plsc

_V = 1000
_E = 64
_T = 50
_N = 51200
_RB = 1600
_NB = _N // _RB
_GW = 128
_NC, _NS = 2, 16
_NW = _NC * _NS
_PW = _N // _NW
_CH = 80
_NCH = _PW // _CH


def _tables_body(temb_ref, pemb_ref, W_ref, b_ref,
                 g_ref, wt_ref, wp_ref, pb_ref, pbt_ref):
    tl = jnp.dot(temb_ref[:], W_ref[:], preferred_element_type=jnp.float32)
    pb = jnp.dot(pemb_ref[:], W_ref[:], preferred_element_type=jnp.float32)
    pb = pb + b_ref[:]
    pb_ref[:] = pb
    S = lax.dot_general(jnp.exp(tl), jnp.exp(pb),
                        (((1,), (1,)), ((), ())),
                        preferred_element_type=jnp.float32)
    ls = jnp.log(S)
    zpad = jnp.zeros((_V, _GW - _E - _T), jnp.float32)
    g_ref[:] = jnp.concatenate([temb_ref[:], ls, zpad], axis=1)
    wt = jnp.concatenate(
        [W_ref[:].T, jnp.zeros((_V, _GW - _E), jnp.float32)], axis=1)
    wt_ref[:] = wt
    wp_ref[:] = jnp.concatenate(
        [W_ref[:], jnp.zeros((_GW - _E, _V), jnp.float32)], axis=0)
    pbt_ref[:] = jnp.concatenate([pb] * (_RB // _T), axis=0)


def _make_tables(token_emb, pos_emb, W_head, b2):
    return pl.pallas_call(
        _tables_body,
        out_shape=[
            jax.ShapeDtypeStruct((_V, _GW), jnp.float32),
            jax.ShapeDtypeStruct((_V, _GW), jnp.float32),
            jax.ShapeDtypeStruct((_GW, _V), jnp.float32),
            jax.ShapeDtypeStruct((_T, _V), jnp.float32),
            jax.ShapeDtypeStruct((_RB, _V), jnp.float32),
        ],
    )(token_emb, pos_emb, W_head, b2)


def _sc_body(g_hbm, wt_hbm, idx_hbm, tgt_hbm, pb_hbm,
             gt_hbm, parts_hbm,
             idx_v, tgt_v, pb_v, ga, gb, wa, wb, tokbf, pbuf,
             sem_i, sem_ga, sem_gb, sem_wa, sem_wb):
    wid = lax.axis_index("s") * _NC + lax.axis_index("c")
    base = wid * _PW
    c1 = pltpu.make_async_copy(idx_hbm.at[pl.ds(base, _PW)], idx_v, sem_i)
    c2 = pltpu.make_async_copy(tgt_hbm.at[pl.ds(base, _PW)], tgt_v, sem_i)
    c3 = pltpu.make_async_copy(pb_hbm, pb_v, sem_i)
    c1.start(); c2.start(); c3.start()
    c1.wait(); c2.wait(); c3.wait()

    def g_gath(c, buf, sem):
        return pltpu.make_async_copy(
            g_hbm.at[idx_v.at[pl.ds(c * _CH, _CH)]], buf, sem)

    def w_gath(c, buf, sem):
        return pltpu.make_async_copy(
            wt_hbm.at[tgt_v.at[pl.ds(c * _CH, _CH)]], buf, sem)

    iota16 = lax.iota(jnp.int32, 16)

    def chunk_acc(c, gbuf, wbuf, acc):
        for j0 in range(0, _CH, 16):
            rows = j0 + iota16
            tvec = (base + c * _CH + rows) % _T
            tgt16 = tgt_v[pl.ds(c * _CH + j0, 16)]
            ls16 = plsc.load_gather(gbuf, [rows, _E + tvec])
            pb16 = plsc.load_gather(pb_v, [tvec * _V + tgt16])
            acc = acc + ls16 - pb16

        def row_dot(j, a):
            vs = [gbuf[j, pl.ds(e, 16)] for e in range(0, _E, 16)]
            for q, e in enumerate(range(0, _E, 16)):
                a = a - vs[q] * wbuf[j, pl.ds(e, 16)]
            tokbf[j, pl.ds(0, 32)] = plsc.pack(vs[0], vs[1], format=plsc.PackFormat.INTERLEAVED)
            tokbf[j, pl.ds(32, 32)] = plsc.pack(vs[2], vs[3], format=plsc.PackFormat.INTERLEAVED)
            return a

        acc = lax.fori_loop(0, _CH, row_dot, acc)
        pltpu.sync_copy(tokbf, gt_hbm.at[pl.ds(base + c * _CH, _CH)])
        return acc

    zero32 = jnp.zeros((32,), jnp.bfloat16)

    def zrow(j, carry):
        tokbf[j, pl.ds(64, 32)] = zero32
        tokbf[j, pl.ds(96, 32)] = zero32
        return carry

    lax.fori_loop(0, _CH, zrow, 0)

    def body(k, acc):
        c0 = 2 * k
        g_gath(c0, ga, sem_ga).start()
        w_gath(c0, wa, sem_wa).start()
        g_gath(c0 + 1, gb, sem_gb).start()
        w_gath(c0 + 1, wb, sem_wb).start()
        g_gath(c0, ga, sem_ga).wait()
        w_gath(c0, wa, sem_wa).wait()
        acc = chunk_acc(c0, ga, wa, acc)
        g_gath(c0 + 1, gb, sem_gb).wait()
        w_gath(c0 + 1, wb, sem_wb).wait()
        acc = chunk_acc(c0 + 1, gb, wb, acc)
        return acc

    acc = jnp.zeros((16,), jnp.float32)
    acc = lax.fori_loop(0, _NCH // 2, body, acc)

    for q in range(0, _GW, 16):
        pbuf[pl.ds(q, 16)] = acc if q == 0 else jnp.zeros((16,), jnp.float32)
    pltpu.sync_copy(pbuf, parts_hbm.at[wid])


def _sc_stage(g_tbl, wt_tbl, idx_flat, tgt_flat, pb_flat):
    mesh = plsc.VectorSubcoreMesh(core_axis_name="c", subcore_axis_name="s")
    fn = pl.kernel(
        _sc_body,
        out_type=[
            jax.ShapeDtypeStruct((_N, _GW), jnp.bfloat16),
            jax.ShapeDtypeStruct((_NW, _GW), jnp.float32),
        ],
        mesh=mesh,
        compiler_params=pltpu.CompilerParams(needs_layout_passes=False),
        scratch_types=[
            pltpu.VMEM((_PW,), jnp.int32),
            pltpu.VMEM((_PW,), jnp.int32),
            pltpu.VMEM((_T * _V,), jnp.float32),
            pltpu.VMEM((_CH, _GW), jnp.float32),
            pltpu.VMEM((_CH, _GW), jnp.float32),
            pltpu.VMEM((_CH, _GW), jnp.float32),
            pltpu.VMEM((_CH, _GW), jnp.float32),
            pltpu.VMEM((_CH, _GW), jnp.bfloat16),
            pltpu.VMEM((_GW,), jnp.float32),
            pltpu.SemaphoreType.DMA,
            pltpu.SemaphoreType.DMA,
            pltpu.SemaphoreType.DMA,
            pltpu.SemaphoreType.DMA,
            pltpu.SemaphoreType.DMA,
        ],
    )
    return fn(g_tbl, wt_tbl, idx_flat, tgt_flat, pb_flat)


def _main_body(g_ref, Wp_ref, pbt_ref, out_ref):
    out_ref[:] = jnp.dot(g_ref[:], Wp_ref[:],
                         preferred_element_type=jnp.float32) + pbt_ref[:]


_perm = np.zeros(_GW, dtype=np.int64)
for _q in range(2):
    for _i in range(16):
        _perm[32 * _q + 2 * _i] = 32 * _q + _i
        _perm[32 * _q + 2 * _i + 1] = 32 * _q + 16 + _i
_perm[_E:] = np.arange(_E, _GW)


def _fin_body(parts_ref, loss_ref):
    loss_ref[:, :] = jnp.full((1, 1), jnp.sum(parts_ref[:]) / _N,
                              dtype=jnp.float32)


def kernel(inputs, targets, token_emb, pos_emb, W_head, b_head):
    idx_flat = inputs.reshape(_N)
    tgt_flat = targets.reshape(_N)
    b2 = b_head.reshape(1, _V)

    g_tbl, wt_tbl, Wpad, pb, pb_tiled = _make_tables(token_emb, pos_emb, W_head, b2)
    pb_flat = pb.reshape(_T * _V)

    gt, parts = _sc_stage(g_tbl, wt_tbl, idx_flat, tgt_flat, pb_flat)

    out = pl.pallas_call(
        _main_body,
        grid=(_NB,),
        in_specs=[
            pl.BlockSpec((_RB, _GW), lambda g: (g, 0)),
            pl.BlockSpec((_GW, _V), lambda g: (0, 0)),
            pl.BlockSpec((_RB, _V), lambda g: (0, 0)),
        ],
        out_specs=pl.BlockSpec((_RB, _V), lambda g: (g, 0)),
        out_shape=jax.ShapeDtypeStruct((_N, _V), jnp.float32),
    )(gt, Wpad[jnp.asarray(_perm)].astype(jnp.bfloat16), pb_tiled)

    loss = pl.pallas_call(
        _fin_body,
        out_shape=jax.ShapeDtypeStruct((1, 1), jnp.float32),
    )(parts)

    return out, loss[0, 0]

# --- scband reference (transcript-rebuilt; emitter-appended) ---
"""Pipeline reference for scband-bigram-model-75685913690468 (READ-ONLY COPY).

The authoritative reference and input builder live on the scoring server;
editing this copy changes nothing except your own understanding.
"""

import jax, jax.numpy as jnp
import numpy as np

VOCAB = 1000
EMBED = 64
BLOCK = 50
B = 1024
T = 50


def setup_inputs(seed: int = 0) -> dict:
    key = jax.random.key(seed)
    k1, k2, k3, k4, k5 = jax.random.split(key, 5)
    inputs = jax.random.randint(k1, (B, T), 0, VOCAB, dtype=jnp.int32)
    targets = jax.random.randint(k2, (B, T), 0, VOCAB, dtype=jnp.int32)
    token_emb = jax.random.normal(k3, (VOCAB, EMBED), dtype=jnp.float32) * 0.02
    pos_emb = jax.random.normal(k4, (BLOCK, EMBED), dtype=jnp.float32) * 0.02
    W_head = jax.random.normal(k5, (EMBED, VOCAB), dtype=jnp.float32) * (1.0 / np.sqrt(EMBED))
    b_head = jnp.zeros((VOCAB,), dtype=jnp.float32)
    return {
        "inputs": inputs,
        "targets": targets,
        "token_emb": token_emb,
        "pos_emb": pos_emb,
        "W_head": W_head,
        "b_head": b_head,
    }


def reference(inputs, targets, token_emb, pos_emb, W_head, b_head):
    Bx, Tx = inputs.shape
    # token embedding lookup (gather)
    tok = jnp.take(token_emb, inputs, axis=0)              # [B, T, E]
    # position embedding lookup
    pos = jnp.take(pos_emb, jnp.arange(Tx), axis=0)        # [T, E]
    emb = tok + pos[None, :, :]                            # [B, T, E]
    logits = jnp.einsum('bte,ev->btv', emb, W_head) + b_head  # [B, T, V]
    # targets provided -> flatten and compute cross entropy, as in torch forward
    C = logits.shape[-1]
    logits_flat = logits.reshape(Bx * Tx, C)
    t = targets.reshape(Bx * Tx)
    logp = jax.nn.log_softmax(logits_flat, axis=-1)
    nll = -jnp.take_along_axis(logp, t[:, None].astype(jnp.int32), axis=1)[:, 0]
    loss = jnp.mean(nll)
    return (logits_flat, loss)

if __name__ == "__main__":
    import jax
    _d = setup_inputs()
    print(jax.jit(kernel)(*tuple(_d.values())))

</pallas_src>

<mosaic_0001>
#map = affine_map<(d0, d1) -> (0, 0)>
#map1 = affine_map<(d0, d1) -> (0)>
module attributes {stable_mosaic.version = 14 : i64} {
  func.func @_sc_body(%arg0: i32, %arg1: i32, %arg2: memref<1000x128xf32, #tpu.memory_space<hbm>>, %arg3: memref<1000x128xf32, #tpu.memory_space<hbm>>, %arg4: memref<51200xi32, #tpu.memory_space<hbm>>, %arg5: memref<51200xi32, #tpu.memory_space<hbm>>, %arg6: memref<50000xf32, #tpu.memory_space<hbm>>, %arg7: memref<51200x128xbf16, #tpu.memory_space<hbm>>, %arg8: memref<32x128xf32, #tpu.memory_space<hbm>>, %arg9: memref<1600xi32, #tpu.memory_space<vmem>>, %arg10: memref<1600xi32, #tpu.memory_space<vmem>>, %arg11: memref<50000xf32, #tpu.memory_space<vmem>>, %arg12: memref<80x128xf32, #tpu.memory_space<vmem>>, %arg13: memref<80x128xf32, #tpu.memory_space<vmem>>, %arg14: memref<80x128xf32, #tpu.memory_space<vmem>>, %arg15: memref<80x128xf32, #tpu.memory_space<vmem>>, %arg16: memref<80x128xbf16, #tpu.memory_space<vmem>>, %arg17: memref<128xf32, #tpu.memory_space<vmem>>, %arg18: memref<!tpu.dma_semaphore, #tpu.memory_space<semaphore_mem>>, %arg19: memref<!tpu.dma_semaphore, #tpu.memory_space<semaphore_mem>>, %arg20: memref<!tpu.dma_semaphore, #tpu.memory_space<semaphore_mem>>, %arg21: memref<!tpu.dma_semaphore, #tpu.memory_space<semaphore_mem>>, %arg22: memref<!tpu.dma_semaphore, #tpu.memory_space<semaphore_mem>>) attributes {dimension_semantics = [#tpu.dimension_semantics<core_parallel>, #tpu.dimension_semantics<subcore_parallel>], iteration_bounds = array<i64: 2, 16>, scalar_prefetch = 0 : i64, scratch_operands = 14 : i64, tpu.core_type = #tpu.core_type<sc_vector_subcore>, window_params = [{transform_indices = #map}, {transform_indices = #map}, {transform_indices = #map1}, {transform_indices = #map1}, {transform_indices = #map1}, {transform_indices = #map}, {transform_indices = #map}]} {
    %mul3A = arith.constant 2 : i32
    %mul3A_0 = arith.muli %arg1, %mul3A : i32
    %add3A = arith.addi %mul3A_0, %arg0 : i32
    %mul3A_1 = arith.constant 1600 : i32
    %mul3A_2 = arith.muli %add3A, %mul3A_1 : i32
    %dma_start3A = tpu.memref_slice %arg4[%mul3A_2] : memref<51200xi32, #tpu.memory_space<hbm>> -> memref<1600xi32, #tpu.memory_space<hbm>>
    %dma_start3A_3 = tpu.memref_slice %arg4[%mul3A_2] : memref<51200xi32, #tpu.memory_space<hbm>> -> memref<1600xi32, #tpu.memory_space<hbm>>
    tpu.enqueue_dma source(%dma_start3A_3 : memref<1600xi32, #tpu.memory_space<hbm>>) target(%arg9 : memref<1600xi32, #tpu.memory_space<vmem>>) target_semaphore(%arg18 : memref<!tpu.dma_semaphore, #tpu.memory_space<semaphore_mem>>)
    %dma_start3A_4 = tpu.memref_slice %arg5[%mul3A_2] : memref<51200xi32, #tpu.memory_space<hbm>> -> memref<1600xi32, #tpu.memory_space<hbm>>
    %dma_start3A_5 = tpu.memref_slice %arg5[%mul3A_2] : memref<51200xi32, #tpu.memory_space<hbm>> -> memref<1600xi32, #tpu.memory_space<hbm>>
    tpu.enqueue_dma source(%dma_start3A_5 : memref<1600xi32, #tpu.memory_space<hbm>>) target(%arg10 : memref<1600xi32, #tpu.memory_space<vmem>>) target_semaphore(%arg18 : memref<!tpu.dma_semaphore, #tpu.memory_space<semaphore_mem>>)
    tpu.enqueue_dma source(%arg6 : memref<50000xf32, #tpu.memory_space<hbm>>) target(%arg11 : memref<50000xf32, #tpu.memory_space<vmem>>) target_semaphore(%arg18 : memref<!tpu.dma_semaphore, #tpu.memory_space<semaphore_mem>>)
    %dma_wait3A = tpu.memref_slice %arg4[%mul3A_2] : memref<51200xi32, #tpu.memory_space<hbm>> -> memref<1600xi32, #tpu.memory_space<hbm>>
    %dma_wait3A_6 = tpu.memref_slice %arg4[%mul3A_2] : memref<51200xi32, #tpu.memory_space<hbm>> -> memref<1600xi32, #tpu.memory_space<hbm>>
    tpu.wait_dma2 semaphore(%arg18 : memref<!tpu.dma_semaphore, #tpu.memory_space<semaphore_mem>>) src(%dma_wait3A_6 : memref<1600xi32, #tpu.memory_space<hbm>>) dst(%arg9 : memref<1600xi32, #tpu.memory_space<vmem>>)
    %dma_wait3A_7 = tpu.memref_slice %arg5[%mul3A_2] : memref<51200xi32, #tpu.memory_space<hbm>> -> memref<1600xi32, #tpu.memory_space<hbm>>
    %dma_wait3A_8 = tpu.memref_slice %arg5[%mul3A_2] : memref<51200xi32, #tpu.memory_space<hbm>> -> memref<1600xi32, #tpu.memory_space<hbm>>
    tpu.wait_dma2 semaphore(%arg18 : memref<!tpu.dma_semaphore, #tpu.memory_space<semaphore_mem>>) src(%dma_wait3A_8 : memref<1600xi32, #tpu.memory_space<hbm>>) dst(%arg10 : memref<1600xi32, #tpu.memory_space<vmem>>)
    tpu.wait_dma2 semaphore(%arg18 : memref<!tpu.dma_semaphore, #tpu.memory_space<semaphore_mem>>) src(%arg6 : memref<50000xf32, #tpu.memory_space<hbm>>) dst(%arg11 : memref<50000xf32, #tpu.memory_space<vmem>>)
    %iota3A = tpu.iota {dimensions = array<i32: 0>} : vector<16xi32>
    %broadcast_in_dim3A = arith.constant 0.000000e+00 : bf16
    %broadcast_in_dim3A_9 = vector.broadcast %broadcast_in_dim3A : bf16 to vector<32xbf16>
    %scan3A = arith.constant 0 : i32
    %scan3A_10 = arith.constant 0 : i32
    %scan3A_11 = arith.constant 80 : i32
    %scan3A_12 = arith.addi %scan3A_10, %scan3A_11 : i32
    %scan3A_13 = arith.constant 1 : i32
    scf.for %scan3A_52 = %scan3A_10 to %scan3A_12 step %scan3A_13  : i32 {
      %swap3A_53 = arith.index_cast %scan3A_52 : i32 to index
      %swap3A_54 = arith.constant 64 : index
      %swap3A_55 = tpu.vector_load %arg16[%swap3A_53, %swap3A_54] {strides = array<i32>} : memref<80x128xbf16, #tpu.memory_space<vmem>>, vector<32xbf16>,
      tpu.vector_store %arg16[%swap3A_53, %swap3A_54], %broadcast_in_dim3A_9 {strides = array<i32>} : memref<80x128xbf16, #tpu.memory_space<vmem>>, vector<32xbf16>,
      %swap3A_56 = arith.index_cast %scan3A_52 : i32 to index
      %swap3A_57 = arith.constant 96 : index
      %swap3A_58 = tpu.vector_load %arg16[%swap3A_56, %swap3A_57] {strides = array<i32>} : memref<80x128xbf16, #tpu.memory_space<vmem>>, vector<32xbf16>,
      tpu.vector_store %arg16[%swap3A_56, %swap3A_57], %broadcast_in_dim3A_9 {strides = array<i32>} : memref<80x128xbf16, #tpu.memory_space<vmem>>, vector<32xbf16>,
    }
    %scan3A_14 = arith.constant 80 : i32
    %broadcast_in_dim3A_15 = arith.constant 0.000000e+00 : f32
    %broadcast_in_dim3A_16 = vector.broadcast %broadcast_in_dim3A_15 : f32 to vector<16xf32>
    %scan3A_17 = arith.constant 0 : i32
    %scan3A_18 = arith.constant 10 : i32
    %scan3A_19 = arith.addi %scan3A_17, %scan3A_18 : i32
    %scan3A_20 = arith.constant 1 : i32
    %scan3A_21 = scf.for %scan3A_52 = %scan3A_17 to %scan3A_19 step %scan3A_20 iter_args(%scan3A_53 = %broadcast_in_dim3A_16) -> (vector<16xf32>)  : i32 {
      %mul3A_54 = arith.constant 2 : i32
      %mul3A_55 = arith.muli %mul3A_54, %scan3A_52 : i32
      %mul3A_56 = arith.constant 80 : i32
      %mul3A_57 = arith.muli %mul3A_55, %mul3A_56 : i32
      %dma_start3A_58 = tpu.memref_slice %arg9[%mul3A_57] : memref<1600xi32, #tpu.memory_space<vmem>> -> memref<80xi32, #tpu.memory_space<vmem>>
      %dma_start3A_59 = arith.constant 0 : i32
      %dma_start3A_60 = arith.constant 0 : i32
      %dma_start3A_61 = tpu.memref_slice %arg2[%dma_start3A_59, %dma_start3A_60] : memref<1000x128xf32, #tpu.memory_space<hbm>> -> memref<1000x128xf32, #tpu.memory_space<hbm>>
      tpu.enqueue_indirect_dma source(%dma_start3A_61 : memref<1000x128xf32, #tpu.memory_space<hbm>>) target(%arg12 : memref<80x128xf32, #tpu.memory_space<vmem>>) offsets(%dma_start3A_58 : memref<80xi32, #tpu.memory_space<vmem>>) semaphore(%arg19 : memref<!tpu.dma_semaphore, #tpu.memory_space<semaphore_mem>>)
      %mul3A_62 = arith.constant 80 : i32
      %mul3A_63 = arith.muli %mul3A_55, %mul3A_62 : i32
      %dma_start3A_64 = tpu.memref_slice %arg10[%mul3A_63] : memref<1600xi32, #tpu.memory_space<vmem>> -> memref<80xi32, #tpu.memory_space<vmem>>
      %dma_start3A_65 = arith.constant 0 : i32
      %dma_start3A_66 = arith.constant 0 : i32
      %dma_start3A_67 = tpu.memref_slice %arg3[%dma_start3A_65, %dma_start3A_66] : memref<1000x128xf32, #tpu.memory_space<hbm>> -> memref<1000x128xf32, #tpu.memory_space<hbm>>
      tpu.enqueue_indirect_dma source(%dma_start3A_67 : memref<1000x128xf32, #tpu.memory_space<hbm>>) target(%arg14 : memref<80x128xf32, #tpu.memory_space<vmem>>) offsets(%dma_start3A_64 : memref<80xi32, #tpu.memory_space<vmem>>) semaphore(%arg21 : memref<!tpu.dma_semaphore, #tpu.memory_space<semaphore_mem>>)
      %add3A_68 = arith.constant 1 : i32
      %add3A_69 = arith.addi %mul3A_55, %add3A_68 : i32
      %mul3A_70 = arith.constant 80 : i32
      %mul3A_71 = arith.muli %add3A_69, %mul3A_70 : i32
      %dma_start3A_72 = tpu.memref_slice %arg9[%mul3A_71] : memref<1600xi32, #tpu.memory_space<vmem>> -> memref<80xi32, #tpu.memory_space<vmem>>
      %dma_start3A_73 = arith.constant 0 : i32
      %dma_start3A_74 = arith.constant 0 : i32
      %dma_start3A_75 = tpu.memref_slice %arg2[%dma_start3A_73, %dma_start3A_74] : memref<1000x128xf32, #tpu.memory_space<hbm>> -> memref<1000x128xf32, #tpu.memory_space<hbm>>
      tpu.enqueue_indirect_dma source(%dma_start3A_75 : memref<1000x128xf32, #tpu.memory_space<hbm>>) target(%arg13 : memref<80x128xf32, #tpu.memory_space<vmem>>) offsets(%dma_start3A_72 : memref<80xi32, #tpu.memory_space<vmem>>) semaphore(%arg20 : memref<!tpu.dma_semaphore, #tpu.memory_space<semaphore_mem>>)
      %add3A_76 = arith.constant 1 : i32
      %add3A_77 = arith.addi %mul3A_55, %add3A_76 : i32
      %mul3A_78 = arith.constant 80 : i32
      %mul3A_79 = arith.muli %add3A_77, %mul3A_78 : i32
      %dma_start3A_80 = tpu.memref_slice %arg10[%mul3A_79] : memref<1600xi32, #tpu.memory_space<vmem>> -> memref<80xi32, #tpu.memory_space<vmem>>
      %dma_start3A_81 = arith.constant 0 : i32
      %dma_start3A_82 = arith.constant 0 : i32
      %dma_start3A_83 = tpu.memref_slice %arg3[%dma_start3A_81, %dma_start3A_82] : memref<1000x128xf32, #tpu.memory_space<hbm>> -> memref<1000x128xf32, #tpu.memory_space<hbm>>
      tpu.enqueue_indirect_dma source(%dma_start3A_83 : memref<1000x128xf32, #tpu.memory_space<hbm>>) target(%arg15 : memref<80x128xf32, #tpu.memory_space<vmem>>) offsets(%dma_start3A_80 : memref<80xi32, #tpu.memory_space<vmem>>) semaphore(%arg22 : memref<!tpu.dma_semaphore, #tpu.memory_space<semaphore_mem>>)
      %mul3A_84 = arith.constant 80 : i32
      %mul3A_85 = arith.muli %mul3A_55, %mul3A_84 : i32
      %dma_wait3A_86 = tpu.memref_slice %arg9[%mul3A_85] : memref<1600xi32, #tpu.memory_space<vmem>> -> memref<80xi32, #tpu.memory_space<vmem>>
      %dma_wait3A_87 = arith.constant 0 : i32
      %dma_wait3A_88 = arith.constant 0 : i32
      %dma_wait3A_89 = tpu.memref_slice %arg2[%dma_wait3A_87, %dma_wait3A_88] : memref<1000x128xf32, #tpu.memory_space<hbm>> -> memref<1000x128xf32, #tpu.memory_space<hbm>>
      tpu.wait_indirect_dma semaphore(%arg19 : memref<!tpu.dma_semaphore, #tpu.memory_space<semaphore_mem>>) src(%dma_wait3A_89 : memref<1000x128xf32, #tpu.memory_space<hbm>>) dst(%arg12 : memref<80x128xf32, #tpu.memory_space<vmem>>)
      %mul3A_90 = arith.constant 80 : i32
      %mul3A_91 = arith.muli %mul3A_55, %mul3A_90 : i32
      %dma_wait3A_92 = tpu.memref_slice %arg10[%mul3A_91] : memref<1600xi32, #tpu.memory_space<vmem>> -> memref<80xi32, #tpu.memory_space<vmem>>
      %dma_wait3A_93 = arith.constant 0 : i32
      %dma_wait3A_94 = arith.constant 0 : i32
      %dma_wait3A_95 = tpu.memref_slice %arg3[%dma_wait3A_93, %dma_wait3A_94] : memref<1000x128xf32, #tpu.memory_space<hbm>> -> memref<1000x128xf32, #tpu.memory_space<hbm>>
      tpu.wait_indirect_dma semaphore(%arg21 : memref<!tpu.dma_semaphore, #tpu.memory_space<semaphore_mem>>) src(%dma_wait3A_95 : memref<1000x128xf32, #tpu.memory_space<hbm>>) dst(%arg14 : memref<80x128xf32, #tpu.memory_space<vmem>>)
      %add3A_96 = arith.constant 0 : i32
      %add3A_97 = vector.broadcast %add3A_96 : i32 to vector<16xi32>
      %add3A_98 = arith.addi %add3A_97, %iota3A : vector<16xi32>
      %mul3A_99 = arith.constant 80 : i32
      %mul3A_100 = arith.muli %mul3A_55, %mul3A_99 : i32
      %add3A_101 = arith.addi %mul3A_2, %mul3A_100 : i32
      %add3A_102 = vector.broadcast %add3A_101 : i32 to vector<16xi32>
      %add3A_103 = arith.addi %add3A_102, %add3A_98 : vector<16xi32>
      %jit3A = arith.constant 50 : i32
      %eq3A = arith.constant 0 : i32
      %eq3A_104 = arith.cmpi eq, %jit3A, %eq3A : i32
      %jit3A_105 = arith.constant 1 : i32
      %select_n3A = arith.select %eq3A_104, %jit3A_105, %jit3A : i32
      %rem3A = vector.broadcast %select_n3A : i32 to vector<16xi32>
      %rem3A_106 = arith.remsi %add3A_103, %rem3A : vector<16xi32>
      %ne3A = arith.constant 0 : i32
      %ne3A_107 = vector.broadcast %ne3A : i32 to vector<16xi32>
      %ne3A_108 = arith.cmpi ne, %rem3A_106, %ne3A_107 : vector<16xi32>
      %lt3A = arith.constant 0 : i32
      %lt3A_109 = vector.broadcast %lt3A : i32 to vector<16xi32>
      %lt3A_110 = arith.cmpi slt, %rem3A_106, %lt3A_109 : vector<16xi32>
      %lt3A_111 = arith.constant 0 : i32
      %lt3A_112 = arith.cmpi slt, %select_n3A, %lt3A_111 : i32
      %ne3A_113 = vector.broadcast %lt3A_112 : i1 to vector<16xi1>
      %ne3A_114 = vector.broadcast %ne3A_113 : vector<16xi1> to vector<16xi1>
      %ne3A_115 = arith.xori %lt3A_110, %ne3A_114 : vector<16xi1>
      %and3A = arith.andi %ne3A_115, %ne3A_108 : vector<16xi1>
      %add3A_116 = vector.broadcast %select_n3A : i32 to vector<16xi32>
      %add3A_117 = arith.addi %rem3A_106, %add3A_116 : vector<16xi32>
      %select_n3A_118 = arith.select %and3A, %add3A_117, %rem3A_106 : vector<16xi1>, vector<16xi32>
      %mul3A_119 = arith.constant 80 : i32
      %mul3A_120 = arith.muli %mul3A_55, %mul3A_119 : i32
      %add3A_121 = arith.constant 0 : i32
      %add3A_122 = arith.addi %mul3A_120, %add3A_121 : i32
      %get3A = arith.index_cast %add3A_122 : i32 to index
      %get3A_123 = tpu.vector_load %arg10[%get3A] {strides = array<i32>} : memref<1600xi32, #tpu.memory_space<vmem>>, vector<16xi32>,
      %add3A_124 = arith.constant 64 : i32
      %add3A_125 = vector.broadcast %add3A_124 : i32 to vector<16xi32>
      %add3A_126 = arith.addi %add3A_125, %select_n3A_118 : vector<16xi32>
      %gather3A = tpu.vector_load_idx %arg12[%add3A_98, %add3A_126] : memref<80x128xf32, #tpu.memory_space<vmem>>[vector<16xi32>, vector<16xi32>], vector<16xf32>,
      %mul3A_127 = arith.constant 1000 : i32
      %mul3A_128 = vector.broadcast %mul3A_127 : i32 to vector<16xi32>
      %mul3A_129 = arith.muli %select_n3A_118, %mul3A_128 : vector<16xi32>
      %add3A_130 = arith.addi %mul3A_129, %get3A_123 : vector<16xi32>
      %gather3A_131 = tpu.vector_load_idx %arg11[%add3A_130] : memref<50000xf32, #tpu.memory_space<vmem>>[vector<16xi32>], vector<16xf32>,
      %add3A_132 = arith.addf %scan3A_53, %gather3A : vector<16xf32>
      %sub3A = arith.subf %add3A_132, %gather3A_131 : vector<16xf32>
      %add3A_133 = arith.constant 16 : i32
      %add3A_134 = vector.broadcast %add3A_133 : i32 to vector<16xi32>
      %add3A_135 = arith.addi %add3A_134, %iota3A : vector<16xi32>
      %mul3A_136 = arith.constant 80 : i32
      %mul3A_137 = arith.muli %mul3A_55, %mul3A_136 : i32
      %add3A_138 = arith.addi %mul3A_2, %mul3A_137 : i32
      %add3A_139 = vector.broadcast %add3A_138 : i32 to vector<16xi32>
      %add3A_140 = arith.addi %add3A_139, %add3A_135 : vector<16xi32>
      %jit3A_141 = arith.constant 50 : i32
      %eq3A_142 = arith.constant 0 : i32
      %eq3A_143 = arith.cmpi eq, %jit3A_141, %eq3A_142 : i32
      %jit3A_144 = arith.constant 1 : i32
      %select_n3A_145 = arith.select %eq3A_143, %jit3A_144, %jit3A_141 : i32
      %rem3A_146 = vector.broadcast %select_n3A_145 : i32 to vector<16xi32>
      %rem3A_147 = arith.remsi %add3A_140, %rem3A_146 : vector<16xi32>
      %ne3A_148 = arith.constant 0 : i32
      %ne3A_149 = vector.broadcast %ne3A_148 : i32 to vector<16xi32>
      %ne3A_150 = arith.cmpi ne, %rem3A_147, %ne3A_149 : vector<16xi32>
      %lt3A_151 = arith.constant 0 : i32
      %lt3A_152 = vector.broadcast %lt3A_151 : i32 to vector<16xi32>
      %lt3A_153 = arith.cmpi slt, %rem3A_147, %lt3A_152 : vector<16xi32>
      %lt3A_154 = arith.constant 0 : i32
      %lt3A_155 = arith.cmpi slt, %select_n3A_145, %lt3A_154 : i32
      %ne3A_156 = vector.broadcast %lt3A_155 : i1 to vector<16xi1>
      %ne3A_157 = vector.broadcast %ne3A_156 : vector<16xi1> to vector<16xi1>
      %ne3A_158 = arith.xori %lt3A_153, %ne3A_157 : vector<16xi1>
      %and3A_159 = arith.andi %ne3A_158, %ne3A_150 : vector<16xi1>
      %add3A_160 = vector.broadcast %select_n3A_145 : i32 to vector<16xi32>
      %add3A_161 = arith.addi %rem3A_147, %add3A_160 : vector<16xi32>
      %select_n3A_162 = arith.select %and3A_159, %add3A_161, %rem3A_147 : vector<16xi1>, vector<16xi32>
      %mul3A_163 = arith.constant 80 : i32
      %mul3A_164 = arith.muli %mul3A_55, %mul3A_163 : i32
      %add3A_165 = arith.constant 16 : i32
      %add3A_166 = arith.addi %mul3A_164, %add3A_165 : i32
      %get3A_167 = arith.index_cast %add3A_166 : i32 to index
      %get3A_168 = tpu.vector_load %arg10[%get3A_167] {strides = array<i32>} : memref<1600xi32, #tpu.memory_space<vmem>>, vector<16xi32>,
      %add3A_169 = arith.constant 64 : i32
      %add3A_170 = vector.broadcast %add3A_169 : i32 to vector<16xi32>
      %add3A_171 = arith.addi %add3A_170, %select_n3A_162 : vector<16xi32>
      %gather3A_172 = tpu.vector_load_idx %arg12[%add3A_135, %add3A_171] : memref<80x128xf32, #tpu.memory_space<vmem>>[vector<16xi32>, vector<16xi32>], vector<16xf32>,
      %mul3A_173 = arith.constant 1000 : i32
      %mul3A_174 = vector.broadcast %mul3A_173 : i32 to vector<16xi32>
      %mul3A_175 = arith.muli %select_n3A_162, %mul3A_174 : vector<16xi32>
      %add3A_176 = arith.addi %mul3A_175, %get3A_168 : vector<16xi32>
      %gather3A_177 = tpu.vector_load_idx %arg11[%add3A_176] : memref<50000xf32, #tpu.memory_space<vmem>>[vector<16xi32>], vector<16xf32>,
      %add3A_178 = arith.addf %sub3A, %gather3A_172 : vector<16xf32>
      %sub3A_179 = arith.subf %add3A_178, %gather3A_177 : vector<16xf32>
      %add3A_180 = arith.constant 32 : i32
      %add3A_181 = vector.broadcast %add3A_180 : i32 to vector<16xi32>
      %add3A_182 = arith.addi %add3A_181, %iota3A : vector<16xi32>
      %mul3A_183 = arith.constant 80 : i32
      %mul3A_184 = arith.muli %mul3A_55, %mul3A_183 : i32
      %add3A_185 = arith.addi %mul3A_2, %mul3A_184 : i32
      %add3A_186 = vector.broadcast %add3A_185 : i32 to vector<16xi32>
      %add3A_187 = arith.addi %add3A_186, %add3A_182 : vector<16xi32>
      %jit3A_188 = arith.constant 50 : i32
      %eq3A_189 = arith.constant 0 : i32
      %eq3A_190 = arith.cmpi eq, %jit3A_188, %eq3A_189 : i32
      %jit3A_191 = arith.constant 1 : i32
      %select_n3A_192 = arith.select %eq3A_190, %jit3A_191, %jit3A_188 : i32
      %rem3A_193 = vector.broadcast %select_n3A_192 : i32 to vector<16xi32>
      %rem3A_194 = arith.remsi %add3A_187, %rem3A_193 : vector<16xi32>
      %ne3A_195 = arith.constant 0 : i32
      %ne3A_196 = vector.broadcast %ne3A_195 : i32 to vector<16xi32>
      %ne3A_197 = arith.cmpi ne, %rem3A_194, %ne3A_196 : vector<16xi32>
      %lt3A_198 = arith.constant 0 : i32
      %lt3A_199 = vector.broadcast %lt3A_198 : i32 to vector<16xi32>
      %lt3A_200 = arith.cmpi slt, %rem3A_194, %lt3A_199 : vector<16xi32>
      %lt3A_201 = arith.constant 0 : i32
      %lt3A_202 = arith.cmpi slt, %select_n3A_192, %lt3A_201 : i32
      %ne3A_203 = vector.broadcast %lt3A_202 : i1 to vector<16xi1>
      %ne3A_204 = vector.broadcast %ne3A_203 : vector<16xi1> to vector<16xi1>
      %ne3A_205 = arith.xori %lt3A_200, %ne3A_204 : vector<16xi1>
      %and3A_206 = arith.andi %ne3A_205, %ne3A_197 : vector<16xi1>
      %add3A_207 = vector.broadcast %select_n3A_192 : i32 to vector<16xi32>
      %add3A_208 = arith.addi %rem3A_194, %add3A_207 : vector<16xi32>
      %select_n3A_209 = arith.select %and3A_206, %add3A_208, %rem3A_194 : vector<16xi1>, vector<16xi32>
      %mul3A_210 = arith.constant 80 : i32
      %mul3A_211 = arith.muli %mul3A_55, %mul3A_210 : i32
      %add3A_212 = arith.constant 32 : i32
      %add3A_213 = arith.addi %mul3A_211, %add3A_212 : i32
      %get3A_214 = arith.index_cast %add3A_213 : i32 to index
      %get3A_215 = tpu.vector_load %arg10[%get3A_214] {strides = array<i32>} : memref<1600xi32, #tpu.memory_space<vmem>>, vector<16xi32>,
      %add3A_216 = arith.constant 64 : i32
      %add3A_217 = vector.broadcast %add3A_216 : i32 to vector<16xi32>
      %add3A_218 = arith.addi %add3A_217, %select_n3A_209 : vector<16xi32>
      %gather3A_219 = tpu.vector_load_idx %arg12[%add3A_182, %add3A_218] : memref<80x128xf32, #tpu.memory_space<vmem>>[vector<16xi32>, vector<16xi32>], vector<16xf32>,
      %mul3A_220 = arith.constant 1000 : i32
      %mul3A_221 = vector.broadcast %mul3A_220 : i32 to vector<16xi32>
      %mul3A_222 = arith.muli %select_n3A_209, %mul3A_221 : vector<16xi32>
      %add3A_223 = arith.addi %mul3A_222, %get3A_215 : vector<16xi32>
      %gather3A_224 = tpu.vector_load_idx %arg11[%add3A_223] : memref<50000xf32, #tpu.memory_space<vmem>>[vector<16xi32>], vector<16xf32>,
      %add3A_225 = arith.addf %sub3A_179, %gather3A_219 : vector<16xf32>
      %sub3A_226 = arith.subf %add3A_225, %gather3A_224 : vector<16xf32>
      %add3A_227 = arith.constant 48 : i32
      %add3A_228 = vector.broadcast %add3A_227 : i32 to vector<16xi32>
      %add3A_229 = arith.addi %add3A_228, %iota3A : vector<16xi32>
      %mul3A_230 = arith.constant 80 : i32
      %mul3A_231 = arith.muli %mul3A_55, %mul3A_230 : i32
      %add3A_232 = arith.addi %mul3A_2, %mul3A_231 : i32
      %add3A_233 = vector.broadcast %add3A_232 : i32 to vector<16xi32>
      %add3A_234 = arith.addi %add3A_233, %add3A_229 : vector<16xi32>
      %jit3A_235 = arith.constant 50 : i32
      %eq3A_236 = arith.constant 0 : i32
      %eq3A_237 = arith.cmpi eq, %jit3A_235, %eq3A_236 : i32
      %jit3A_238 = arith.constant 1 : i32
      %select_n3A_239 = arith.select %eq3A_237, %jit3A_238, %jit3A_235 : i32
      %rem3A_240 = vector.broadcast %select_n3A_239 : i32 to vector<16xi32>
      %rem3A_241 = arith.remsi %add3A_234, %rem3A_240 : vector<16xi32>
      %ne3A_242 = arith.constant 0 : i32
      %ne3A_243 = vector.broadcast %ne3A_242 : i32 to vector<16xi32>
      %ne3A_244 = arith.cmpi ne, %rem3A_241, %ne3A_243 : vector<16xi32>
      %lt3A_245 = arith.constant 0 : i32
      %lt3A_246 = vector.broadcast %lt3A_245 : i32 to vector<16xi32>
      %lt3A_247 = arith.cmpi slt, %rem3A_241, %lt3A_246 : vector<16xi32>
      %lt3A_248 = arith.constant 0 : i32
      %lt3A_249 = arith.cmpi slt, %select_n3A_239, %lt3A_248 : i32
      %ne3A_250 = vector.broadcast %lt3A_249 : i1 to vector<16xi1>
      %ne3A_251 = vector.broadcast %ne3A_250 : vector<16xi1> to vector<16xi1>
      %ne3A_252 = arith.xori %lt3A_247, %ne3A_251 : vector<16xi1>
      %and3A_253 = arith.andi %ne3A_252, %ne3A_244 : vector<16xi1>
      %add3A_254 = vector.broadcast %select_n3A_239 : i32 to vector<16xi32>
      %add3A_255 = arith.addi %rem3A_241, %add3A_254 : vector<16xi32>
      %select_n3A_256 = arith.select %and3A_253, %add3A_255, %rem3A_241 : vector<16xi1>, vector<16xi32>
      %mul3A_257 = arith.constant 80 : i32
      %mul3A_258 = arith.muli %mul3A_55, %mul3A_257 : i32
      %add3A_259 = arith.constant 48 : i32
      %add3A_260 = arith.addi %mul3A_258, %add3A_259 : i32
      %get3A_261 = arith.index_cast %add3A_260 : i32 to index
      %get3A_262 = tpu.vector_load %arg10[%get3A_261] {strides = array<i32>} : memref<1600xi32, #tpu.memory_space<vmem>>, vector<16xi32>,
      %add3A_263 = arith.constant 64 : i32
      %add3A_264 = vector.broadcast %add3A_263 : i32 to vector<16xi32>
      %add3A_265 = arith.addi %add3A_264, %select_n3A_256 : vector<16xi32>
      %gather3A_266 = tpu.vector_load_idx %arg12[%add3A_229, %add3A_265] : memref<80x128xf32, #tpu.memory_space<vmem>>[vector<16xi32>, vector<16xi32>], vector<16xf32>,
      %mul3A_267 = arith.constant 1000 : i32
      %mul3A_268 = vector.broadcast %mul3A_267 : i32 to vector<16xi32>
      %mul3A_269 = arith.muli %select_n3A_256, %mul3A_268 : vector<16xi32>
      %add3A_270 = arith.addi %mul3A_269, %get3A_262 : vector<16xi32>
      %gather3A_271 = tpu.vector_load_idx %arg11[%add3A_270] : memref<50000xf32, #tpu.memory_space<vmem>>[vector<16xi32>], vector<16xf32>,
      %add3A_272 = arith.addf %sub3A_226, %gather3A_266 : vector<16xf32>
      %sub3A_273 = arith.subf %add3A_272, %gather3A_271 : vector<16xf32>
      %add3A_274 = arith.constant 64 : i32
      %add3A_275 = vector.broadcast %add3A_274 : i32 to vector<16xi32>
      %add3A_276 = arith.addi %add3A_275, %iota3A : vector<16xi32>
      %mul3A_277 = arith.constant 80 : i32
      %mul3A_278 = arith.muli %mul3A_55, %mul3A_277 : i32
      %add3A_279 = arith.addi %mul3A_2, %mul3A_278 : i32
      %add3A_280 = vector.broadcast %add3A_279 : i32 to vector<16xi32>
      %add3A_281 = arith.addi %add3A_280, %add3A_276 : vector<16xi32>
      %jit3A_282 = arith.constant 50 : i32
      %eq3A_283 = arith.constant 0 : i32
      %eq3A_284 = arith.cmpi eq, %jit3A_282, %eq3A_283 : i32
      %jit3A_285 = arith.constant 1 : i32
      %select_n3A_286 = arith.select %eq3A_284, %jit3A_285, %jit3A_282 : i32
      %rem3A_287 = vector.broadcast %select_n3A_286 : i32 to vector<16xi32>
      %rem3A_288 = arith.remsi %add3A_281, %rem3A_287 : vector<16xi32>
      %ne3A_289 = arith.constant 0 : i32
      %ne3A_290 = vector.broadcast %ne3A_289 : i32 to vector<16xi32>
      %ne3A_291 = arith.cmpi ne, %rem3A_288, %ne3A_290 : vector<16xi32>
      %lt3A_292 = arith.constant 0 : i32
      %lt3A_293 = vector.broadcast %lt3A_292 : i32 to vector<16xi32>
      %lt3A_294 = arith.cmpi slt, %rem3A_288, %lt3A_293 : vector<16xi32>
      %lt3A_295 = arith.constant 0 : i32
      %lt3A_296 = arith.cmpi slt, %select_n3A_286, %lt3A_295 : i32
      %ne3A_297 = vector.broadcast %lt3A_296 : i1 to vector<16xi1>
      %ne3A_298 = vector.broadcast %ne3A_297 : vector<16xi1> to vector<16xi1>
      %ne3A_299 = arith.xori %lt3A_294, %ne3A_298 : vector<16xi1>
      %and3A_300 = arith.andi %ne3A_299, %ne3A_291 : vector<16xi1>
      %add3A_301 = vector.broadcast %select_n3A_286 : i32 to vector<16xi32>
      %add3A_302 = arith.addi %rem3A_288, %add3A_301 : vector<16xi32>
      %select_n3A_303 = arith.select %and3A_300, %add3A_302, %rem3A_288 : vector<16xi1>, vector<16xi32>
      %mul3A_304 = arith.constant 80 : i32
      %mul3A_305 = arith.muli %mul3A_55, %mul3A_304 : i32
      %add3A_306 = arith.constant 64 : i32
      %add3A_307 = arith.addi %mul3A_305, %add3A_306 : i32
      %get3A_308 = arith.index_cast %add3A_307 : i32 to index
      %get3A_309 = tpu.vector_load %arg10[%get3A_308] {strides = array<i32>} : memref<1600xi32, #tpu.memory_space<vmem>>, vector<16xi32>,
      %add3A_310 = arith.constant 64 : i32
      %add3A_311 = vector.broadcast %add3A_310 : i32 to vector<16xi32>
      %add3A_312 = arith.addi %add3A_311, %select_n3A_303 : vector<16xi32>
      %gather3A_313 = tpu.vector_load_idx %arg12[%add3A_276, %add3A_312] : memref<80x128xf32, #tpu.memory_space<vmem>>[vector<16xi32>, vector<16xi32>], vector<16xf32>,
      %mul3A_314 = arith.constant 1000 : i32
      %mul3A_315 = vector.broadcast %mul3A_314 : i32 to vector<16xi32>
      %mul3A_316 = arith.muli %select_n3A_303, %mul3A_315 : vector<16xi32>
      %add3A_317 = arith.addi %mul3A_316, %get3A_309 : vector<16xi32>
      %gather3A_318 = tpu.vector_load_idx %arg11[%add3A_317] : memref<50000xf32, #tpu.memory_space<vmem>>[vector<16xi32>], vector<16xf32>,
      %add3A_319 = arith.addf %sub3A_273, %gather3A_313 : vector<16xf32>
      %sub3A_320 = arith.subf %add3A_319, %gather3A_318 : vector<16xf32>
      %scan3A_321 = arith.constant 0 : i32
      %scan3A_322 = arith.constant 80 : i32
      %scan3A_323 = arith.addi %scan3A_321, %scan3A_322 : i32
      %scan3A_324 = arith.constant 1 : i32
      %scan3A_325 = scf.for %scan3A_592 = %scan3A_321 to %scan3A_323 step %scan3A_324 iter_args(%scan3A_593 = %sub3A_320) -> (vector<16xf32>)  : i32 {
        %get3A_594 = arith.index_cast %scan3A_592 : i32 to index
        %get3A_595 = arith.constant 0 : index
        %get3A_596 = tpu.vector_load %arg12[%get3A_594, %get3A_595] {strides = array<i32>} : memref<80x128xf32, #tpu.memory_space<vmem>>, vector<16xf32>,
        %get3A_597 = arith.index_cast %scan3A_592 : i32 to index
        %get3A_598 = arith.constant 16 : index
        %get3A_599 = tpu.vector_load %arg12[%get3A_597, %get3A_598] {strides = array<i32>} : memref<80x128xf32, #tpu.memory_space<vmem>>, vector<16xf32>,
        %get3A_600 = arith.index_cast %scan3A_592 : i32 to index
        %get3A_601 = arith.constant 32 : index
        %get3A_602 = tpu.vector_load %arg12[%get3A_600, %get3A_601] {strides = array<i32>} : memref<80x128xf32, #tpu.memory_space<vmem>>, vector<16xf32>,
        %get3A_603 = arith.index_cast %scan3A_592 : i32 to index
        %get3A_604 = arith.constant 48 : index
        %get3A_605 = tpu.vector_load %arg12[%get3A_603, %get3A_604] {strides = array<i32>} : memref<80x128xf32, #tpu.memory_space<vmem>>, vector<16xf32>,
        %get3A_606 = arith.index_cast %scan3A_592 : i32 to index
        %get3A_607 = arith.constant 0 : index
        %get3A_608 = tpu.vector_load %arg14[%get3A_606, %get3A_607] {strides = array<i32>} : memref<80x128xf32, #tpu.memory_space<vmem>>, vector<16xf32>,
        %mul3A_609 = arith.mulf %get3A_596, %get3A_608 : vector<16xf32>
        %sub3A_610 = arith.subf %scan3A_593, %mul3A_609 : vector<16xf32>
        %get3A_611 = arith.index_cast %scan3A_592 : i32 to index
        %get3A_612 = arith.constant 16 : index
        %get3A_613 = tpu.vector_load %arg14[%get3A_611, %get3A_612] {strides = array<i32>} : memref<80x128xf32, #tpu.memory_space<vmem>>, vector<16xf32>,
        %mul3A_614 = arith.mulf %get3A_599, %get3A_613 : vector<16xf32>
        %sub3A_615 = arith.subf %sub3A_610, %mul3A_614 : vector<16xf32>
        %get3A_616 = arith.index_cast %scan3A_592 : i32 to index
        %get3A_617 = arith.constant 32 : index
        %get3A_618 = tpu.vector_load %arg14[%get3A_616, %get3A_617] {strides = array<i32>} : memref<80x128xf32, #tpu.memory_space<vmem>>, vector<16xf32>,
        %mul3A_619 = arith.mulf %get3A_602, %get3A_618 : vector<16xf32>
        %sub3A_620 = arith.subf %sub3A_615, %mul3A_619 : vector<16xf32>
        %get3A_621 = arith.index_cast %scan3A_592 : i32 to index
        %get3A_622 = arith.constant 48 : index
        %get3A_623 = tpu.vector_load %arg14[%get3A_621, %get3A_622] {strides = array<i32>} : memref<80x128xf32, #tpu.memory_space<vmem>>, vector<16xf32>,
        %mul3A_624 = arith.mulf %get3A_605, %get3A_623 : vector<16xf32>
        %sub3A_625 = arith.subf %sub3A_620, %mul3A_624 : vector<16xf32>
        %pack3A = tpu.pack_subelements %get3A_596, %get3A_599 {pack_format = #tpu.pack_format<interleaved>, positions = array<i32: 0, 1>} : vector<16xf32>, vector<16xf32> -> vector<32xbf16>
        %swap3A_626 = arith.index_cast %scan3A_592 : i32 to index
        %swap3A_627 = arith.constant 0 : index
        %swap3A_628 = tpu.vector_load %arg16[%swap3A_626, %swap3A_627] {strides = array<i32>} : memref<80x128xbf16, #tpu.memory_space<vmem>>, vector<32xbf16>,
        tpu.vector_store %arg16[%swap3A_626, %swap3A_627], %pack3A {strides = array<i32>} : memref<80x128xbf16, #tpu.memory_space<vmem>>, vector<32xbf16>,
        %pack3A_629 = tpu.pack_subelements %get3A_602, %get3A_605 {pack_format = #tpu.pack_format<interleaved>, positions = array<i32: 0, 1>} : vector<16xf32>, vector<16xf32> -> vector<32xbf16>
        %swap3A_630 = arith.index_cast %scan3A_592 : i32 to index
        %swap3A_631 = arith.constant 32 : index
        %swap3A_632 = tpu.vector_load %arg16[%swap3A_630, %swap3A_631] {strides = array<i32>} : memref<80x128xbf16, #tpu.memory_space<vmem>>, vector<32xbf16>,
        tpu.vector_store %arg16[%swap3A_630, %swap3A_631], %pack3A_629 {strides = array<i32>} : memref<80x128xbf16, #tpu.memory_space<vmem>>, vector<32xbf16>,
        scf.yield %sub3A_625 : vector<16xf32>
      }
      %scan3A_326 = arith.constant 80 : i32
      %mul3A_327 = arith.constant 80 : i32
      %mul3A_328 = arith.muli %mul3A_55, %mul3A_327 : i32
      %add3A_329 = arith.addi %mul3A_2, %mul3A_328 : i32
      "tpu.region"() ({
        %run_scoped3A = tpu.sem_alloc : memref<!tpu.dma_semaphore, #tpu.memory_space<semaphore_mem>>
        %dma_start3A_592 = arith.constant 0 : i32
        %dma_start3A_593 = tpu.memref_slice %arg7[%add3A_329, %dma_start3A_592] : memref<51200x128xbf16, #tpu.memory_space<hbm>> -> memref<80x128xbf16, #tpu.memory_space<hbm>>
        %dma_start3A_594 = arith.constant 0 : i32
        %dma_start3A_595 = tpu.memref_slice %arg7[%add3A_329, %dma_start3A_594] : memref<51200x128xbf16, #tpu.memory_space<hbm>> -> memref<80x128xbf16, #tpu.memory_space<hbm>>
        tpu.enqueue_dma source(%arg16 : memref<80x128xbf16, #tpu.memory_space<vmem>>) target(%dma_start3A_595 : memref<80x128xbf16, #tpu.memory_space<hbm>>) target_semaphore(%run_scoped3A : memref<!tpu.dma_semaphore, #tpu.memory_space<semaphore_mem>>)
        %dma_wait3A_596 = arith.constant 0 : i32
        %dma_wait3A_597 = tpu.memref_slice %arg7[%add3A_329, %dma_wait3A_596] : memref<51200x128xbf16, #tpu.memory_space<hbm>> -> memref<80x128xbf16, #tpu.memory_space<hbm>>
        %dma_wait3A_598 = arith.constant 0 : i32
        %dma_wait3A_599 = tpu.memref_slice %arg7[%add3A_329, %dma_wait3A_598] : memref<51200x128xbf16, #tpu.memory_space<hbm>> -> memref<80x128xbf16, #tpu.memory_space<hbm>>
        tpu.wait_dma2 semaphore(%run_scoped3A : memref<!tpu.dma_semaphore, #tpu.memory_space<semaphore_mem>>) src(%arg16 : memref<80x128xbf16, #tpu.memory_space<vmem>>) dst(%dma_wait3A_599 : memref<80x128xbf16, #tpu.memory_space<hbm>>)
        tpu.yield
      }) : () -> ()
      %add3A_330 = arith.constant 1 : i32
      %add3A_331 = arith.addi %mul3A_55, %add3A_330 : i32
      %mul3A_332 = arith.constant 80 : i32
      %mul3A_333 = arith.muli %add3A_331, %mul3A_332 : i32
      %dma_wait3A_334 = tpu.memref_slice %arg9[%mul3A_333] : memref<1600xi32, #tpu.memory_space<vmem>> -> memref<80xi32, #tpu.memory_space<vmem>>
      %dma_wait3A_335 = arith.constant 0 : i32
      %dma_wait3A_336 = arith.constant 0 : i32
      %dma_wait3A_337 = tpu.memref_slice %arg2[%dma_wait3A_335, %dma_wait3A_336] : memref<1000x128xf32, #tpu.memory_space<hbm>> -> memref<1000x128xf32, #tpu.memory_space<hbm>>
      tpu.wait_indirect_dma semaphore(%arg20 : memref<!tpu.dma_semaphore, #tpu.memory_space<semaphore_mem>>) src(%dma_wait3A_337 : memref<1000x128xf32, #tpu.memory_space<hbm>>) dst(%arg13 : memref<80x128xf32, #tpu.memory_space<vmem>>)
      %add3A_338 = arith.constant 1 : i32
      %add3A_339 = arith.addi %mul3A_55, %add3A_338 : i32
      %mul3A_340 = arith.constant 80 : i32
      %mul3A_341 = arith.muli %add3A_339, %mul3A_340 : i32
      %dma_wait3A_342 = tpu.memref_slice %arg10[%mul3A_341] : memref<1600xi32, #tpu.memory_space<vmem>> -> memref<80xi32, #tpu.memory_space<vmem>>
      %dma_wait3A_343 = arith.constant 0 : i32
      %dma_wait3A_344 = arith.constant 0 : i32
      %dma_wait3A_345 = tpu.memref_slice %arg3[%dma_wait3A_343, %dma_wait3A_344] : memref<1000x128xf32, #tpu.memory_space<hbm>> -> memref<1000x128xf32, #tpu.memory_space<hbm>>
      tpu.wait_indirect_dma semaphore(%arg22 : memref<!tpu.dma_semaphore, #tpu.memory_space<semaphore_mem>>) src(%dma_wait3A_345 : memref<1000x128xf32, #tpu.memory_space<hbm>>) dst(%arg15 : memref<80x128xf32, #tpu.memory_space<vmem>>)
      %add3A_346 = arith.constant 1 : i32
      %add3A_347 = arith.addi %mul3A_55, %add3A_346 : i32
      %add3A_348 = arith.constant 0 : i32
      %add3A_349 = vector.broadcast %add3A_348 : i32 to vector<16xi32>
      %add3A_350 = arith.addi %add3A_349, %iota3A : vector<16xi32>
      %mul3A_351 = arith.constant 80 : i32
      %mul3A_352 = arith.muli %add3A_347, %mul3A_351 : i32
      %add3A_353 = arith.addi %mul3A_2, %mul3A_352 : i32
      %add3A_354 = vector.broadcast %add3A_353 : i32 to vector<16xi32>
      %add3A_355 = arith.addi %add3A_354, %add3A_350 : vector<16xi32>
      %jit3A_356 = arith.constant 50 : i32
      %eq3A_357 = arith.constant 0 : i32
      %eq3A_358 = arith.cmpi eq, %jit3A_356, %eq3A_357 : i32
      %jit3A_359 = arith.constant 1 : i32
      %select_n3A_360 = arith.select %eq3A_358, %jit3A_359, %jit3A_356 : i32
      %rem3A_361 = vector.broadcast %select_n3A_360 : i32 to vector<16xi32>
      %rem3A_362 = arith.remsi %add3A_355, %rem3A_361 : vector<16xi32>
      %ne3A_363 = arith.constant 0 : i32
      %ne3A_364 = vector.broadcast %ne3A_363 : i32 to vector<16xi32>
      %ne3A_365 = arith.cmpi ne, %rem3A_362, %ne3A_364 : vector<16xi32>
      %lt3A_366 = arith.constant 0 : i32
      %lt3A_367 = vector.broadcast %lt3A_366 : i32 to vector<16xi32>
      %lt3A_368 = arith.cmpi slt, %rem3A_362, %lt3A_367 : vector<16xi32>
      %lt3A_369 = arith.constant 0 : i32
      %lt3A_370 = arith.cmpi slt, %select_n3A_360, %lt3A_369 : i32
      %ne3A_371 = vector.broadcast %lt3A_370 : i1 to vector<16xi1>
      %ne3A_372 = vector.broadcast %ne3A_371 : vector<16xi1> to vector<16xi1>
      %ne3A_373 = arith.xori %lt3A_368, %ne3A_372 : vector<16xi1>
      %and3A_374 = arith.andi %ne3A_373, %ne3A_365 : vector<16xi1>
      %add3A_375 = vector.broadcast %select_n3A_360 : i32 to vector<16xi32>
      %add3A_376 = arith.addi %rem3A_362, %add3A_375 : vector<16xi32>
      %select_n3A_377 = arith.select %and3A_374, %add3A_376, %rem3A_362 : vector<16xi1>, vector<16xi32>
      %mul3A_378 = arith.constant 80 : i32
      %mul3A_379 = arith.muli %add3A_347, %mul3A_378 : i32
      %add3A_380 = arith.constant 0 : i32
      %add3A_381 = arith.addi %mul3A_379, %add3A_380 : i32
      %get3A_382 = arith.index_cast %add3A_381 : i32 to index
      %get3A_383 = tpu.vector_load %arg10[%get3A_382] {strides = array<i32>} : memref<1600xi32, #tpu.memory_space<vmem>>, vector<16xi32>,
      %add3A_384 = arith.constant 64 : i32
      %add3A_385 = vector.broadcast %add3A_384 : i32 to vector<16xi32>
      %add3A_386 = arith.addi %add3A_385, %select_n3A_377 : vector<16xi32>
      %gather3A_387 = tpu.vector_load_idx %arg13[%add3A_350, %add3A_386] : memref<80x128xf32, #tpu.memory_space<vmem>>[vector<16xi32>, vector<16xi32>], vector<16xf32>,
      %mul3A_388 = arith.constant 1000 : i32
      %mul3A_389 = vector.broadcast %mul3A_388 : i32 to vector<16xi32>
      %mul3A_390 = arith.muli %select_n3A_377, %mul3A_389 : vector<16xi32>
      %add3A_391 = arith.addi %mul3A_390, %get3A_383 : vector<16xi32>
      %gather3A_392 = tpu.vector_load_idx %arg11[%add3A_391] : memref<50000xf32, #tpu.memory_space<vmem>>[vector<16xi32>], vector<16xf32>,
      %add3A_393 = arith.addf %scan3A_325, %gather3A_387 : vector<16xf32>
      %sub3A_394 = arith.subf %add3A_393, %gather3A_392 : vector<16xf32>
      %add3A_395 = arith.constant 16 : i32
      %add3A_396 = vector.broadcast %add3A_395 : i32 to vector<16xi32>
      %add3A_397 = arith.addi %add3A_396, %iota3A : vector<16xi32>
      %mul3A_398 = arith.constant 80 : i32
      %mul3A_399 = arith.muli %add3A_347, %mul3A_398 : i32
      %add3A_400 = arith.addi %mul3A_2, %mul3A_399 : i32
      %add3A_401 = vector.broadcast %add3A_400 : i32 to vector<16xi32>
      %add3A_402 = arith.addi %add3A_401, %add3A_397 : vector<16xi32>
      %jit3A_403 = arith.constant 50 : i32
      %eq3A_404 = arith.constant 0 : i32
      %eq3A_405 = arith.cmpi eq, %jit3A_403, %eq3A_404 : i32
      %jit3A_406 = arith.constant 1 : i32
      %select_n3A_407 = arith.select %eq3A_405, %jit3A_406, %jit3A_403 : i32
      %rem3A_408 = vector.broadcast %select_n3A_407 : i32 to vector<16xi32>
      %rem3A_409 = arith.remsi %add3A_402, %rem3A_408 : vector<16xi32>
      %ne3A_410 = arith.constant 0 : i32
      %ne3A_411 = vector.broadcast %ne3A_410 : i32 to vector<16xi32>
      %ne3A_412 = arith.cmpi ne, %rem3A_409, %ne3A_411 : vector<16xi32>
      %lt3A_413 = arith.constant 0 : i32
      %lt3A_414 = vector.broadcast %lt3A_413 : i32 to vector<16xi32>
      %lt3A_415 = arith.cmpi slt, %rem3A_409, %lt3A_414 : vector<16xi32>
      %lt3A_416 = arith.constant 0 : i32
      %lt3A_417 = arith.cmpi slt, %select_n3A_407, %lt3A_416 : i32
      %ne3A_418 = vector.broadcast %lt3A_417 : i1 to vector<16xi1>
      %ne3A_419 = vector.broadcast %ne3A_418 : vector<16xi1> to vector<16xi1>
      %ne3A_420 = arith.xori %lt3A_415, %ne3A_419 : vector<16xi1>
      %and3A_421 = arith.andi %ne3A_420, %ne3A_412 : vector<16xi1>
      %add3A_422 = vector.broadcast %select_n3A_407 : i32 to vector<16xi32>
      %add3A_423 = arith.addi %rem3A_409, %add3A_422 : vector<16xi32>
      %select_n3A_424 = arith.select %and3A_421, %add3A_423, %rem3A_409 : vector<16xi1>, vector<16xi32>
      %mul3A_425 = arith.constant 80 : i32
      %mul3A_426 = arith.muli %add3A_347, %mul3A_425 : i32
      %add3A_427 = arith.constant 16 : i32
      %add3A_428 = arith.addi %mul3A_426, %add3A_427 : i32
      %get3A_429 = arith.index_cast %add3A_428 : i32 to index
      %get3A_430 = tpu.vector_load %arg10[%get3A_429] {strides = array<i32>} : memref<1600xi32, #tpu.memory_space<vmem>>, vector<16xi32>,
      %add3A_431 = arith.constant 64 : i32
      %add3A_432 = vector.broadcast %add3A_431 : i32 to vector<16xi32>
      %add3A_433 = arith.addi %add3A_432, %select_n3A_424 : vector<16xi32>
      %gather3A_434 = tpu.vector_load_idx %arg13[%add3A_397, %add3A_433] : memref<80x128xf32, #tpu.memory_space<vmem>>[vector<16xi32>, vector<16xi32>], vector<16xf32>,
      %mul3A_435 = arith.constant 1000 : i32
      %mul3A_436 = vector.broadcast %mul3A_435 : i32 to vector<16xi32>
      %mul3A_437 = arith.muli %select_n3A_424, %mul3A_436 : vector<16xi32>
      %add3A_438 = arith.addi %mul3A_437, %get3A_430 : vector<16xi32>
      %gather3A_439 = tpu.vector_load_idx %arg11[%add3A_438] : memref<50000xf32, #tpu.memory_space<vmem>>[vector<16xi32>], vector<16xf32>,
      %add3A_440 = arith.addf %sub3A_394, %gather3A_434 : vector<16xf32>
      %sub3A_441 = arith.subf %add3A_440, %gather3A_439 : vector<16xf32>
      %add3A_442 = arith.constant 32 : i32
      %add3A_443 = vector.broadcast %add3A_442 : i32 to vector<16xi32>
      %add3A_444 = arith.addi %add3A_443, %iota3A : vector<16xi32>
      %mul3A_445 = arith.constant 80 : i32
      %mul3A_446 = arith.muli %add3A_347, %mul3A_445 : i32
      %add3A_447 = arith.addi %mul3A_2, %mul3A_446 : i32
      %add3A_448 = vector.broadcast %add3A_447 : i32 to vector<16xi32>
      %add3A_449 = arith.addi %add3A_448, %add3A_444 : vector<16xi32>
      %jit3A_450 = arith.constant 50 : i32
      %eq3A_451 = arith.constant 0 : i32
      %eq3A_452 = arith.cmpi eq, %jit3A_450, %eq3A_451 : i32
      %jit3A_453 = arith.constant 1 : i32
      %select_n3A_454 = arith.select %eq3A_452, %jit3A_453, %jit3A_450 : i32
      %rem3A_455 = vector.broadcast %select_n3A_454 : i32 to vector<16xi32>
      %rem3A_456 = arith.remsi %add3A_449, %rem3A_455 : vector<16xi32>
      %ne3A_457 = arith.constant 0 : i32
      %ne3A_458 = vector.broadcast %ne3A_457 : i32 to vector<16xi32>
      %ne3A_459 = arith.cmpi ne, %rem3A_456, %ne3A_458 : vector<16xi32>
      %lt3A_460 = arith.constant 0 : i32
      %lt3A_461 = vector.broadcast %lt3A_460 : i32 to vector<16xi32>
      %lt3A_462 = arith.cmpi slt, %rem3A_456, %lt3A_461 : vector<16xi32>
      %lt3A_463 = arith.constant 0 : i32
      %lt3A_464 = arith.cmpi slt, %select_n3A_454, %lt3A_463 : i32
      %ne3A_465 = vector.broadcast %lt3A_464 : i1 to vector<16xi1>
      %ne3A_466 = vector.broadcast %ne3A_465 : vector<16xi1> to vector<16xi1>
      %ne3A_467 = arith.xori %lt3A_462, %ne3A_466 : vector<16xi1>
      %and3A_468 = arith.andi %ne3A_467, %ne3A_459 : vector<16xi1>
      %add3A_469 = vector.broadcast %select_n3A_454 : i32 to vector<16xi32>
      %add3A_470 = arith.addi %rem3A_456, %add3A_469 : vector<16xi32>
      %select_n3A_471 = arith.select %and3A_468, %add3A_470, %rem3A_456 : vector<16xi1>, vector<16xi32>
      %mul3A_472 = arith.constant 80 : i32
      %mul3A_473 = arith.muli %add3A_347, %mul3A_472 : i32
      %add3A_474 = arith.constant 32 : i32
      %add3A_475 = arith.addi %mul3A_473, %add3A_474 : i32
      %get3A_476 = arith.index_cast %add3A_475 : i32 to index
      %get3A_477 = tpu.vector_load %arg10[%get3A_476] {strides = array<i32>} : memref<1600xi32, #tpu.memory_space<vmem>>, vector<16xi32>,
      %add3A_478 = arith.constant 64 : i32
      %add3A_479 = vector.broadcast %add3A_478 : i32 to vector<16xi32>
      %add3A_480 = arith.addi %add3A_479, %select_n3A_471 : vector<16xi32>
      %gather3A_481 = tpu.vector_load_idx %arg13[%add3A_444, %add3A_480] : memref<80x128xf32, #tpu.memory_space<vmem>>[vector<16xi32>, vector<16xi32>], vector<16xf32>,
      %mul3A_482 = arith.constant 1000 : i32
      %mul3A_483 = vector.broadcast %mul3A_482 : i32 to vector<16xi32>
      %mul3A_484 = arith.muli %select_n3A_471, %mul3A_483 : vector<16xi32>
      %add3A_485 = arith.addi %mul3A_484, %get3A_477 : vector<16xi32>
      %gather3A_486 = tpu.vector_load_idx %arg11[%add3A_485] : memref<50000xf32, #tpu.memory_space<vmem>>[vector<16xi32>], vector<16xf32>,
      %add3A_487 = arith.addf %sub3A_441, %gather3A_481 : vector<16xf32>
      %sub3A_488 = arith.subf %add3A_487, %gather3A_486 : vector<16xf32>
      %add3A_489 = arith.constant 48 : i32
      %add3A_490 = vector.broadcast %add3A_489 : i32 to vector<16xi32>
      %add3A_491 = arith.addi %add3A_490, %iota3A : vector<16xi32>
      %mul3A_492 = arith.constant 80 : i32
      %mul3A_493 = arith.muli %add3A_347, %mul3A_492 : i32
      %add3A_494 = arith.addi %mul3A_2, %mul3A_493 : i32
      %add3A_495 = vector.broadcast %add3A_494 : i32 to vector<16xi32>
      %add3A_496 = arith.addi %add3A_495, %add3A_491 : vector<16xi32>
      %jit3A_497 = arith.constant 50 : i32
      %eq3A_498 = arith.constant 0 : i32
      %eq3A_499 = arith.cmpi eq, %jit3A_497, %eq3A_498 : i32
      %jit3A_500 = arith.constant 1 : i32
      %select_n3A_501 = arith.select %eq3A_499, %jit3A_500, %jit3A_497 : i32
      %rem3A_502 = vector.broadcast %select_n3A_501 : i32 to vector<16xi32>
      %rem3A_503 = arith.remsi %add3A_496, %rem3A_502 : vector<16xi32>
      %ne3A_504 = arith.constant 0 : i32
      %ne3A_505 = vector.broadcast %ne3A_504 : i32 to vector<16xi32>
      %ne3A_506 = arith.cmpi ne, %rem3A_503, %ne3A_505 : vector<16xi32>
      %lt3A_507 = arith.constant 0 : i32
      %lt3A_508 = vector.broadcast %lt3A_507 : i32 to vector<16xi32>
      %lt3A_509 = arith.cmpi slt, %rem3A_503, %lt3A_508 : vector<16xi32>
      %lt3A_510 = arith.constant 0 : i32
      %lt3A_511 = arith.cmpi slt, %select_n3A_501, %lt3A_510 : i32
      %ne3A_512 = vector.broadcast %lt3A_511 : i1 to vector<16xi1>
      %ne3A_513 = vector.broadcast %ne3A_512 : vector<16xi1> to vector<16xi1>
      %ne3A_514 = arith.xori %lt3A_509, %ne3A_513 : vector<16xi1>
      %and3A_515 = arith.andi %ne3A_514, %ne3A_506 : vector<16xi1>
      %add3A_516 = vector.broadcast %select_n3A_501 : i32 to vector<16xi32>
      %add3A_517 = arith.addi %rem3A_503, %add3A_516 : vector<16xi32>
      %select_n3A_518 = arith.select %and3A_515, %add3A_517, %rem3A_503 : vector<16xi1>, vector<16xi32>
      %mul3A_519 = arith.constant 80 : i32
      %mul3A_520 = arith.muli %add3A_347, %mul3A_519 : i32
      %add3A_521 = arith.constant 48 : i32
      %add3A_522 = arith.addi %mul3A_520, %add3A_521 : i32
      %get3A_523 = arith.index_cast %add3A_522 : i32 to index
      %get3A_524 = tpu.vector_load %arg10[%get3A_523] {strides = array<i32>} : memref<1600xi32, #tpu.memory_space<vmem>>, vector<16xi32>,
      %add3A_525 = arith.constant 64 : i32
      %add3A_526 = vector.broadcast %add3A_525 : i32 to vector<16xi32>
      %add3A_527 = arith.addi %add3A_526, %select_n3A_518 : vector<16xi32>
      %gather3A_528 = tpu.vector_load_idx %arg13[%add3A_491, %add3A_527] : memref<80x128xf32, #tpu.memory_space<vmem>>[vector<16xi32>, vector<16xi32>], vector<16xf32>,
      %mul3A_529 = arith.constant 1000 : i32
      %mul3A_530 = vector.broadcast %mul3A_529 : i32 to vector<16xi32>
      %mul3A_531 = arith.muli %select_n3A_518, %mul3A_530 : vector<16xi32>
      %add3A_532 = arith.addi %mul3A_531, %get3A_524 : vector<16xi32>
      %gather3A_533 = tpu.vector_load_idx %arg11[%add3A_532] : memref<50000xf32, #tpu.memory_space<vmem>>[vector<16xi32>], vector<16xf32>,
      %add3A_534 = arith.addf %sub3A_488, %gather3A_528 : vector<16xf32>
      %sub3A_535 = arith.subf %add3A_534, %gather3A_533 : vector<16xf32>
      %add3A_536 = arith.constant 64 : i32
      %add3A_537 = vector.broadcast %add3A_536 : i32 to vector<16xi32>
      %add3A_538 = arith.addi %add3A_537, %iota3A : vector<16xi32>
      %mul3A_539 = arith.constant 80 : i32
      %mul3A_540 = arith.muli %add3A_347, %mul3A_539 : i32
      %add3A_541 = arith.addi %mul3A_2, %mul3A_540 : i32
      %add3A_542 = vector.broadcast %add3A_541 : i32 to vector<16xi32>
      %add3A_543 = arith.addi %add3A_542, %add3A_538 : vector<16xi32>
      %jit3A_544 = arith.constant 50 : i32
      %eq3A_545 = arith.constant 0 : i32
      %eq3A_546 = arith.cmpi eq, %jit3A_544, %eq3A_545 : i32
      %jit3A_547 = arith.constant 1 : i32
      %select_n3A_548 = arith.select %eq3A_546, %jit3A_547, %jit3A_544 : i32
      %rem3A_549 = vector.broadcast %select_n3A_548 : i32 to vector<16xi32>
      %rem3A_550 = arith.remsi %add3A_543, %rem3A_549 : vector<16xi32>
      %ne3A_551 = arith.constant 0 : i32
      %ne3A_552 = vector.broadcast %ne3A_551 : i32 to vector<16xi32>
      %ne3A_553 = arith.cmpi ne, %rem3A_550, %ne3A_552 : vector<16xi32>
      %lt3A_554 = arith.constant 0 : i32
      %lt3A_555 = vector.broadcast %lt3A_554 : i32 to vector<16xi32>
      %lt3A_556 = arith.cmpi slt, %rem3A_550, %lt3A_555 : vector<16xi32>
      %lt3A_557 = arith.constant 0 : i32
      %lt3A_558 = arith.cmpi slt, %select_n3A_548, %lt3A_557 : i32
      %ne3A_559 = vector.broadcast %lt3A_558 : i1 to vector<16xi1>
      %ne3A_560 = vector.broadcast %ne3A_559 : vector<16xi1> to vector<16xi1>
      %ne3A_561 = arith.xori %lt3A_556, %ne3A_560 : vector<16xi1>
      %and3A_562 = arith.andi %ne3A_561, %ne3A_553 : vector<16xi1>
      %add3A_563 = vector.broadcast %select_n3A_548 : i32 to vector<16xi32>
      %add3A_564 = arith.addi %rem3A_550, %add3A_563 : vector<16xi32>
      %select_n3A_565 = arith.select %and3A_562, %add3A_564, %rem3A_550 : vector<16xi1>, vector<16xi32>
      %mul3A_566 = arith.constant 80 : i32
      %mul3A_567 = arith.muli %add3A_347, %mul3A_566 : i32
      %add3A_568 = arith.constant 64 : i32
      %add3A_569 = arith.addi %mul3A_567, %add3A_568 : i32
      %get3A_570 = arith.index_cast %add3A_569 : i32 to index
      %get3A_571 = tpu.vector_load %arg10[%get3A_570] {strides = array<i32>} : memref<1600xi32, #tpu.memory_space<vmem>>, vector<16xi32>,
      %add3A_572 = arith.constant 64 : i32
      %add3A_573 = vector.broadcast %add3A_572 : i32 to vector<16xi32>
      %add3A_574 = arith.addi %add3A_573, %select_n3A_565 : vector<16xi32>
      %gather3A_575 = tpu.vector_load_idx %arg13[%add3A_538, %add3A_574] : memref<80x128xf32, #tpu.memory_space<vmem>>[vector<16xi32>, vector<16xi32>], vector<16xf32>,
      %mul3A_576 = arith.constant 1000 : i32
      %mul3A_577 = vector.broadcast %mul3A_576 : i32 to vector<16xi32>
      %mul3A_578 = arith.muli %select_n3A_565, %mul3A_577 : vector<16xi32>
      %add3A_579 = arith.addi %mul3A_578, %get3A_571 : vector<16xi32>
      %gather3A_580 = tpu.vector_load_idx %arg11[%add3A_579] : memref<50000xf32, #tpu.memory_space<vmem>>[vector<16xi32>], vector<16xf32>,
      %add3A_581 = arith.addf %sub3A_535, %gather3A_575 : vector<16xf32>
      %sub3A_582 = arith.subf %add3A_581, %gather3A_580 : vector<16xf32>
      %scan3A_583 = arith.constant 0 : i32
      %scan3A_584 = arith.constant 80 : i32
      %scan3A_585 = arith.addi %scan3A_583, %scan3A_584 : i32
      %scan3A_586 = arith.constant 1 : i32
      %scan3A_587 = scf.for %scan3A_592 = %scan3A_583 to %scan3A_585 step %scan3A_586 iter_args(%scan3A_593 = %sub3A_582) -> (vector<16xf32>)  : i32 {
        %get3A_594 = arith.index_cast %scan3A_592 : i32 to index
        %get3A_595 = arith.constant 0 : index
        %get3A_596 = tpu.vector_load %arg13[%get3A_594, %get3A_595] {strides = array<i32>} : memref<80x128xf32, #tpu.memory_space<vmem>>, vector<16xf32>,
        %get3A_597 = arith.index_cast %scan3A_592 : i32 to index
        %get3A_598 = arith.constant 16 : index
        %get3A_599 = tpu.vector_load %arg13[%get3A_597, %get3A_598] {strides = array<i32>} : memref<80x128xf32, #tpu.memory_space<vmem>>, vector<16xf32>,
        %get3A_600 = arith.index_cast %scan3A_592 : i32 to index
        %get3A_601 = arith.constant 32 : index
        %get3A_602 = tpu.vector_load %arg13[%get3A_600, %get3A_601] {strides = array<i32>} : memref<80x128xf32, #tpu.memory_space<vmem>>, vector<16xf32>,
        %get3A_603 = arith.index_cast %scan3A_592 : i32 to index
        %get3A_604 = arith.constant 48 : index
        %get3A_605 = tpu.vector_load %arg13[%get3A_603, %get3A_604] {strides = array<i32>} : memref<80x128xf32, #tpu.memory_space<vmem>>, vector<16xf32>,
        %get3A_606 = arith.index_cast %scan3A_592 : i32 to index
        %get3A_607 = arith.constant 0 : index
        %get3A_608 = tpu.vector_load %arg15[%get3A_606, %get3A_607] {strides = array<i32>} : memref<80x128xf32, #tpu.memory_space<vmem>>, vector<16xf32>,
        %mul3A_609 = arith.mulf %get3A_596, %get3A_608 : vector<16xf32>
        %sub3A_610 = arith.subf %scan3A_593, %mul3A_609 : vector<16xf32>
        %get3A_611 = arith.index_cast %scan3A_592 : i32 to index
        %get3A_612 = arith.constant 16 : index
        %get3A_613 = tpu.vector_load %arg15[%get3A_611, %get3A_612] {strides = array<i32>} : memref<80x128xf32, #tpu.memory_space<vmem>>, vector<16xf32>,
        %mul3A_614 = arith.mulf %get3A_599, %get3A_613 : vector<16xf32>
        %sub3A_615 = arith.subf %sub3A_610, %mul3A_614 : vector<16xf32>
        %get3A_616 = arith.index_cast %scan3A_592 : i32 to index
        %get3A_617 = arith.constant 32 : index
        %get3A_618 = tpu.vector_load %arg15[%get3A_616, %get3A_617] {strides = array<i32>} : memref<80x128xf32, #tpu.memory_space<vmem>>, vector<16xf32>,
        %mul3A_619 = arith.mulf %get3A_602, %get3A_618 : vector<16xf32>
        %sub3A_620 = arith.subf %sub3A_615, %mul3A_619 : vector<16xf32>
        %get3A_621 = arith.index_cast %scan3A_592 : i32 to index
        %get3A_622 = arith.constant 48 : index
        %get3A_623 = tpu.vector_load %arg15[%get3A_621, %get3A_622] {strides = array<i32>} : memref<80x128xf32, #tpu.memory_space<vmem>>, vector<16xf32>,
        %mul3A_624 = arith.mulf %get3A_605, %get3A_623 : vector<16xf32>
        %sub3A_625 = arith.subf %sub3A_620, %mul3A_624 : vector<16xf32>
        %pack3A = tpu.pack_subelements %get3A_596, %get3A_599 {pack_format = #tpu.pack_format<interleaved>, positions = array<i32: 0, 1>} : vector<16xf32>, vector<16xf32> -> vector<32xbf16>
        %swap3A_626 = arith.index_cast %scan3A_592 : i32 to index
        %swap3A_627 = arith.constant 0 : index
        %swap3A_628 = tpu.vector_load %arg16[%swap3A_626, %swap3A_627] {strides = array<i32>} : memref<80x128xbf16, #tpu.memory_space<vmem>>, vector<32xbf16>,
        tpu.vector_store %arg16[%swap3A_626, %swap3A_627], %pack3A {strides = array<i32>} : memref<80x128xbf16, #tpu.memory_space<vmem>>, vector<32xbf16>,
        %pack3A_629 = tpu.pack_subelements %get3A_602, %get3A_605 {pack_format = #tpu.pack_format<interleaved>, positions = array<i32: 0, 1>} : vector<16xf32>, vector<16xf32> -> vector<32xbf16>
        %swap3A_630 = arith.index_cast %scan3A_592 : i32 to index
        %swap3A_631 = arith.constant 32 : index
        %swap3A_632 = tpu.vector_load %arg16[%swap3A_630, %swap3A_631] {strides = array<i32>} : memref<80x128xbf16, #tpu.memory_space<vmem>>, vector<32xbf16>,
        tpu.vector_store %arg16[%swap3A_630, %swap3A_631], %pack3A_629 {strides = array<i32>} : memref<80x128xbf16, #tpu.memory_space<vmem>>, vector<32xbf16>,
        scf.yield %sub3A_625 : vector<16xf32>
      }
      %scan3A_588 = arith.constant 80 : i32
      %mul3A_589 = arith.constant 80 : i32
      %mul3A_590 = arith.muli %add3A_347, %mul3A_589 : i32
      %add3A_591 = arith.addi %mul3A_2, %mul3A_590 : i32
      "tpu.region"() ({
        %run_scoped3A = tpu.sem_alloc : memref<!tpu.dma_semaphore, #tpu.memory_space<semaphore_mem>>
        %dma_start3A_592 = arith.constant 0 : i32
        %dma_start3A_593 = tpu.memref_slice %arg7[%add3A_591, %dma_start3A_592] : memref<51200x128xbf16, #tpu.memory_space<hbm>> -> memref<80x128xbf16, #tpu.memory_space<hbm>>
        %dma_start3A_594 = arith.constant 0 : i32
        %dma_start3A_595 = tpu.memref_slice %arg7[%add3A_591, %dma_start3A_594] : memref<51200x128xbf16, #tpu.memory_space<hbm>> -> memref<80x128xbf16, #tpu.memory_space<hbm>>
        tpu.enqueue_dma source(%arg16 : memref<80x128xbf16, #tpu.memory_space<vmem>>) target(%dma_start3A_595 : memref<80x128xbf16, #tpu.memory_space<hbm>>) target_semaphore(%run_scoped3A : memref<!tpu.dma_semaphore, #tpu.memory_space<semaphore_mem>>)
        %dma_wait3A_596 = arith.constant 0 : i32
        %dma_wait3A_597 = tpu.memref_slice %arg7[%add3A_591, %dma_wait3A_596] : memref<51200x128xbf16, #tpu.memory_space<hbm>> -> memref<80x128xbf16, #tpu.memory_space<hbm>>
        %dma_wait3A_598 = arith.constant 0 : i32
        %dma_wait3A_599 = tpu.memref_slice %arg7[%add3A_591, %dma_wait3A_598] : memref<51200x128xbf16, #tpu.memory_space<hbm>> -> memref<80x128xbf16, #tpu.memory_space<hbm>>
        tpu.wait_dma2 semaphore(%run_scoped3A : memref<!tpu.dma_semaphore, #tpu.memory_space<semaphore_mem>>) src(%arg16 : memref<80x128xbf16, #tpu.memory_space<vmem>>) dst(%dma_wait3A_599 : memref<80x128xbf16, #tpu.memory_space<hbm>>)
        tpu.yield
      }) : () -> ()
      scf.yield %scan3A_587 : vector<16xf32>
    }
    %scan3A_22 = arith.constant 10 : i32
    %swap3A = arith.constant 0 : index
    %swap3A_23 = tpu.vector_load %arg17[%swap3A] {strides = array<i32>} : memref<128xf32, #tpu.memory_space<vmem>>, vector<16xf32>,
    tpu.vector_store %arg17[%swap3A], %scan3A_21 {strides = array<i32>} : memref<128xf32, #tpu.memory_space<vmem>>, vector<16xf32>,
    %broadcast_in_dim3A_24 = arith.constant 0.000000e+00 : f32
    %broadcast_in_dim3A_25 = vector.broadcast %broadcast_in_dim3A_24 : f32 to vector<16xf32>
    %swap3A_26 = arith.constant 16 : index
    %swap3A_27 = tpu.vector_load %arg17[%swap3A_26] {strides = array<i32>} : memref<128xf32, #tpu.memory_space<vmem>>, vector<16xf32>,
    tpu.vector_store %arg17[%swap3A_26], %broadcast_in_dim3A_25 {strides = array<i32>} : memref<128xf32, #tpu.memory_space<vmem>>, vector<16xf32>,
    %broadcast_in_dim3A_28 = arith.constant 0.000000e+00 : f32
    %broadcast_in_dim3A_29 = vector.broadcast %broadcast_in_dim3A_28 : f32 to vector<16xf32>
    %swap3A_30 = arith.constant 32 : index
    %swap3A_31 = tpu.vector_load %arg17[%swap3A_30] {strides = array<i32>} : memref<128xf32, #tpu.memory_space<vmem>>, vector<16xf32>,
    tpu.vector_store %arg17[%swap3A_30], %broadcast_in_dim3A_29 {strides = array<i32>} : memref<128xf32, #tpu.memory_space<vmem>>, vector<16xf32>,
    %broadcast_in_dim3A_32 = arith.constant 0.000000e+00 : f32
    %broadcast_in_dim3A_33 = vector.broadcast %broadcast_in_dim3A_32 : f32 to vector<16xf32>
    %swap3A_34 = arith.constant 48 : index
    %swap3A_35 = tpu.vector_load %arg17[%swap3A_34] {strides = array<i32>} : memref<128xf32, #tpu.memory_space<vmem>>, vector<16xf32>,
    tpu.vector_store %arg17[%swap3A_34], %broadcast_in_dim3A_33 {strides = array<i32>} : memref<128xf32, #tpu.memory_space<vmem>>, vector<16xf32>,
    %broadcast_in_dim3A_36 = arith.constant 0.000000e+00 : f32
    %broadcast_in_dim3A_37 = vector.broadcast %broadcast_in_dim3A_36 : f32 to vector<16xf32>
    %swap3A_38 = arith.constant 64 : index
    %swap3A_39 = tpu.vector_load %arg17[%swap3A_38] {strides = array<i32>} : memref<128xf32, #tpu.memory_space<vmem>>, vector<16xf32>,
    tpu.vector_store %arg17[%swap3A_38], %broadcast_in_dim3A_37 {strides = array<i32>} : memref<128xf32, #tpu.memory_space<vmem>>, vector<16xf32>,
    %broadcast_in_dim3A_40 = arith.constant 0.000000e+00 : f32
    %broadcast_in_dim3A_41 = vector.broadcast %broadcast_in_dim3A_40 : f32 to vector<16xf32>
    %swap3A_42 = arith.constant 80 : index
    %swap3A_43 = tpu.vector_load %arg17[%swap3A_42] {strides = array<i32>} : memref<128xf32, #tpu.memory_space<vmem>>, vector<16xf32>,
    tpu.vector_store %arg17[%swap3A_42], %broadcast_in_dim3A_41 {strides = array<i32>} : memref<128xf32, #tpu.memory_space<vmem>>, vector<16xf32>,
    %broadcast_in_dim3A_44 = arith.constant 0.000000e+00 : f32
    %broadcast_in_dim3A_45 = vector.broadcast %broadcast_in_dim3A_44 : f32 to vector<16xf32>
    %swap3A_46 = arith.constant 96 : index
    %swap3A_47 = tpu.vector_load %arg17[%swap3A_46] {strides = array<i32>} : memref<128xf32, #tpu.memory_space<vmem>>, vector<16xf32>,
    tpu.vector_store %arg17[%swap3A_46], %broadcast_in_dim3A_45 {strides = array<i32>} : memref<128xf32, #tpu.memory_space<vmem>>, vector<16xf32>,
    %broadcast_in_dim3A_48 = arith.constant 0.000000e+00 : f32
    %broadcast_in_dim3A_49 = vector.broadcast %broadcast_in_dim3A_48 : f32 to vector<16xf32>
    %swap3A_50 = arith.constant 112 : index
    %swap3A_51 = tpu.vector_load %arg17[%swap3A_50] {strides = array<i32>} : memref<128xf32, #tpu.memory_space<vmem>>, vector<16xf32>,
    tpu.vector_store %arg17[%swap3A_50], %broadcast_in_dim3A_49 {strides = array<i32>} : memref<128xf32, #tpu.memory_space<vmem>>, vector<16xf32>,
    "tpu.region"() ({
      %run_scoped3A = tpu.sem_alloc : memref<!tpu.dma_semaphore, #tpu.memory_space<semaphore_mem>>
      %dma_start3A_52 = arith.constant 0 : i32
      %dma_start3A_53 = tpu.memref_slice %arg8[%add3A, %dma_start3A_52] : memref<32x128xf32, #tpu.memory_space<hbm>> -> memref<1x128xf32, #tpu.memory_space<hbm>>
      %dma_start3A_54 = tpu.memref_squeeze %dma_start3A_53 : memref<1x128xf32, #tpu.memory_space<hbm>> -> memref<128xf32, #tpu.memory_space<hbm>>
      %dma_start3A_55 = arith.constant 0 : i32
      %dma_start3A_56 = tpu.memref_slice %arg8[%add3A, %dma_start3A_55] : memref<32x128xf32, #tpu.memory_space<hbm>> -> memref<1x128xf32, #tpu.memory_space<hbm>>
      %dma_start3A_57 = tpu.memref_squeeze %dma_start3A_56 : memref<1x128xf32, #tpu.memory_space<hbm>> -> memref<128xf32, #tpu.memory_space<hbm>>
      tpu.enqueue_dma source(%arg17 : memref<128xf32, #tpu.memory_space<vmem>>) target(%dma_start3A_57 : memref<128xf32, #tpu.memory_space<hbm>>) target_semaphore(%run_scoped3A : memref<!tpu.dma_semaphore, #tpu.memory_space<semaphore_mem>>)
      %dma_wait3A_58 = arith.constant 0 : i32
      %dma_wait3A_59 = tpu.memref_slice %arg8[%add3A, %dma_wait3A_58] : memref<32x128xf32, #tpu.memory_space<hbm>> -> memref<1x128xf32, #tpu.memory_space<hbm>>
      %dma_wait3A_60 = tpu.memref_squeeze %dma_wait3A_59 : memref<1x128xf32, #tpu.memory_space<hbm>> -> memref<128xf32, #tpu.memory_space<hbm>>
      %dma_wait3A_61 = arith.constant 0 : i32
      %dma_wait3A_62 = tpu.memref_slice %arg8[%add3A, %dma_wait3A_61] : memref<32x128xf32, #tpu.memory_space<hbm>> -> memref<1x128xf32, #tpu.memory_space<hbm>>
      %dma_wait3A_63 = tpu.memref_squeeze %dma_wait3A_62 : memref<1x128xf32, #tpu.memory_space<hbm>> -> memref<128xf32, #tpu.memory_space<hbm>>
      tpu.wait_dma2 semaphore(%run_scoped3A : memref<!tpu.dma_semaphore, #tpu.memory_space<semaphore_mem>>) src(%arg17 : memref<128xf32, #tpu.memory_space<vmem>>) dst(%dma_wait3A_63 : memref<128xf32, #tpu.memory_space<hbm>>)
      tpu.yield
    }) : () -> ()
    return
  }
}

module attributes {stable_mosaic.version = 14 : i64} {
  func.func @_tables_body(%arg0: memref<1000x64xf32, #tpu.memory_space<vmem>>, %arg1: memref<50x64xf32, #tpu.memory_space<vmem>>, %arg2: memref<64x1000xf32, #tpu.memory_space<vmem>>, %arg3: memref<1x1000xf32, #tpu.memory_space<vmem>>, %arg4: memref<1000x128xf32, #tpu.memory_space<vmem>>, %arg5: memref<1000x128xf32, #tpu.memory_space<vmem>>, %arg6: memref<128x1000xf32, #tpu.memory_space<vmem>>, %arg7: memref<50x1000xf32, #tpu.memory_space<vmem>>, %arg8: memref<1600x1000xf32, #tpu.memory_space<vmem>>) attributes {dimension_semantics = [], scalar_prefetch = 0 : i64, scratch_operands = 0 : i64, tpu.core_type = #tpu.core_type<tc>} {
    %get3A = arith.constant 0 : index
    %get3A_0 = arith.constant 0 : index
    %get3A_1 = vector.load %arg0[%get3A, %get3A_0] : memref<1000x64xf32, #tpu.memory_space<vmem>>, vector<1000x64xf32>
    %get3A_2 = arith.constant 0 : index
    %get3A_3 = arith.constant 0 : index
    %get3A_4 = vector.load %arg2[%get3A_2, %get3A_3] : memref<64x1000xf32, #tpu.memory_space<vmem>>, vector<64x1000xf32>
    %dot_general3A = arith.constant dense<0.000000e+00> : vector<1000x1000xf32>
    %dot_general3A_5 = tpu.matmul %get3A_1, %get3A_4, %dot_general3A {dimension_numbers = #tpu.dot_dimension_numbers<[1], [0], [0], [1], [0, 0, 1, 1], [], []>, transpose_lhs_hint = false} : vector<1000x64xf32>, vector<64x1000xf32>, vector<1000x1000xf32> -> vector<1000x1000xf32>
    %get3A_6 = arith.constant 0 : index
    %get3A_7 = arith.constant 0 : index
    %get3A_8 = vector.load %arg1[%get3A_6, %get3A_7] : memref<50x64xf32, #tpu.memory_space<vmem>>, vector<50x64xf32>
    %get3A_9 = arith.constant 0 : index
    %get3A_10 = arith.constant 0 : index
    %get3A_11 = vector.load %arg2[%get3A_9, %get3A_10] : memref<64x1000xf32, #tpu.memory_space<vmem>>, vector<64x1000xf32>
    %dot_general3A_12 = arith.constant dense<0.000000e+00> : vector<50x1000xf32>
    %dot_general3A_13 = tpu.matmul %get3A_8, %get3A_11, %dot_general3A_12 {dimension_numbers = #tpu.dot_dimension_numbers<[1], [0], [0], [1], [0, 0, 1, 1], [], []>, transpose_lhs_hint = false} : vector<50x64xf32>, vector<64x1000xf32>, vector<50x1000xf32> -> vector<50x1000xf32>
    %get3A_14 = arith.constant 0 : index
    %get3A_15 = arith.constant 0 : index
    %get3A_16 = vector.load %arg3[%get3A_14, %get3A_15] : memref<1x1000xf32, #tpu.memory_space<vmem>>, vector<1x1000xf32>
    %add3A = vector.broadcast %get3A_16 : vector<1x1000xf32> to vector<50x1000xf32>
    %add3A_17 = arith.addf %dot_general3A_13, %add3A : vector<50x1000xf32>
    %swap3A = arith.constant 0 : index
    %swap3A_18 = arith.constant 0 : index
    %swap3A_19 = vector.load %arg7[%swap3A, %swap3A_18] : memref<50x1000xf32, #tpu.memory_space<vmem>>, vector<50x1000xf32>
    tpu.vector_store %arg7[%swap3A, %swap3A_18], %add3A_17 {strides = array<i32>} : memref<50x1000xf32, #tpu.memory_space<vmem>>, vector<50x1000xf32>,
    %exp3A = math.exp %dot_general3A_5 : vector<1000x1000xf32>
    %exp3A_20 = math.exp %add3A_17 : vector<50x1000xf32>
    %dot_general3A_21 = arith.constant dense<0.000000e+00> : vector<1000x50xf32>
    %dot_general3A_22 = tpu.matmul %exp3A, %exp3A_20, %dot_general3A_21 {dimension_numbers = #tpu.dot_dimension_numbers<[1], [1], [0], [0], [0, 0, 1, 0], [], []>, transpose_lhs_hint = false} : vector<1000x1000xf32>, vector<50x1000xf32>, vector<1000x50xf32> -> vector<1000x50xf32>
    %log3A = math.log %dot_general3A_22 : vector<1000x50xf32>
    %broadcast_in_dim3A = arith.constant 0.000000e+00 : f32
    %broadcast_in_dim3A_23 = vector.broadcast %broadcast_in_dim3A : f32 to vector<1000x14xf32>
    %get3A_24 = arith.constant 0 : index
    %get3A_25 = arith.constant 0 : index
    %get3A_26 = vector.load %arg0[%get3A_24, %get3A_25] : memref<1000x64xf32, #tpu.memory_space<vmem>>, vector<1000x64xf32>
    %concatenate3A = tpu.concatenate %get3A_26, %log3A, %broadcast_in_dim3A_23 in 1 : vector<1000x64xf32>, vector<1000x50xf32>, vector<1000x14xf32> -> vector<1000x128xf32>
    %swap3A_27 = arith.constant 0 : index
    %swap3A_28 = arith.constant 0 : index
    %swap3A_29 = vector.load %arg4[%swap3A_27, %swap3A_28] : memref<1000x128xf32, #tpu.memory_space<vmem>>, vector<1000x128xf32>
    tpu.vector_store %arg4[%swap3A_27, %swap3A_28], %concatenate3A {strides = array<i32>} : memref<1000x128xf32, #tpu.memory_space<vmem>>, vector<1000x128xf32>,
    %get3A_30 = arith.constant 0 : index
    %get3A_31 = arith.constant 0 : index
    %get3A_32 = vector.load %arg2[%get3A_30, %get3A_31] : memref<64x1000xf32, #tpu.memory_space<vmem>>, vector<64x1000xf32>
    %transpose3A = tpu.transpose %get3A_32, [1, 0] : vector<64x1000xf32> -> vector<1000x64xf32>
    %broadcast_in_dim3A_33 = arith.constant 0.000000e+00 : f32
    %broadcast_in_dim3A_34 = vector.broadcast %broadcast_in_dim3A_33 : f32 to vector<1000x64xf32>
    %concatenate3A_35 = tpu.concatenate %transpose3A, %broadcast_in_dim3A_34 in 1 : vector<1000x64xf32>, vector<1000x64xf32> -> vector<1000x128xf32>
    %swap3A_36 = arith.constant 0 : index
    %swap3A_37 = arith.constant 0 : index
    %swap3A_38 = vector.load %arg5[%swap3A_36, %swap3A_37] : memref<1000x128xf32, #tpu.memory_space<vmem>>, vector<1000x128xf32>
    tpu.vector_store %arg5[%swap3A_36, %swap3A_37], %concatenate3A_35 {strides = array<i32>} : memref<1000x128xf32, #tpu.memory_space<vmem>>, vector<1000x128xf32>,
    %get3A_39 = arith.constant 0 : index
    %get3A_40 = arith.constant 0 : index
    %get3A_41 = vector.load %arg2[%get3A_39, %get3A_40] : memref<64x1000xf32, #tpu.memory_space<vmem>>, vector<64x1000xf32>
    %broadcast_in_dim3A_42 = arith.constant 0.000000e+00 : f32
    %broadcast_in_dim3A_43 = vector.broadcast %broadcast_in_dim3A_42 : f32 to vector<64x1000xf32>
    %concatenate3A_44 = tpu.concatenate %get3A_41, %broadcast_in_dim3A_43 in 0 : vector<64x1000xf32>, vector<64x1000xf32> -> vector<128x1000xf32>
    %swap3A_45 = arith.constant 0 : index
    %swap3A_46 = arith.constant 0 : index
    %swap3A_47 = vector.load %arg6[%swap3A_45, %swap3A_46] : memref<128x1000xf32, #tpu.memory_space<vmem>>, vector<128x1000xf32>
    tpu.vector_store %arg6[%swap3A_45, %swap3A_46], %concatenate3A_44 {strides = array<i32>} : memref<128x1000xf32, #tpu.memory_space<vmem>>, vector<128x1000xf32>,
    %concatenate3A_48 = tpu.concatenate %add3A_17, %add3A_17, %add3A_17, %add3A_17, %add3A_17, %add3A_17, %add3A_17, %add3A_17, %add3A_17, %add3A_17, %add3A_17, %add3A_17, %add3A_17, %add3A_17, %add3A_17, %add3A_17, %add3A_17, %add3A_17, %add3A_17, %add3A_17, %add3A_17, %add3A_17, %add3A_17, %add3A_17, %add3A_17, %add3A_17, %add3A_17, %add3A_17, %add3A_17, %add3A_17, %add3A_17, %add3A_17 in 0 : vector<50x1000xf32>, vector<50x1000xf32>, vector<50x1000xf32>, vector<50x1000xf32>, vector<50x1000xf32>, vector<50x1000xf32>, vector<50x1000xf32>, vector<50x1000xf32>, vector<50x1000xf32>, vector<50x1000xf32>, vector<50x1000xf32>, vector<50x1000xf32>, vector<50x1000xf32>, vector<50x1000xf32>, vector<50x1000xf32>, vector<50x1000xf32>, vector<50x1000xf32>, vector<50x1000xf32>, vector<50x1000xf32>, vector<50x1000xf32>, vector<50x1000xf32>, vector<50x1000xf32>, vector<50x1000xf32>, vector<50x1000xf32>, vector<50x1000xf32>, vector<50x1000xf32>, vector<50x1000xf32>, vector<50x1000xf32>, vector<50x1000xf32>, vector<50x1000xf32>, vector<50x1000xf32>, vector<50x1000xf32> -> vector<1600x1000xf32>
    %swap3A_49 = arith.constant 0 : index
    %swap3A_50 = arith.constant 0 : index
    %swap3A_51 = vector.load %arg8[%swap3A_49, %swap3A_50] : memref<1600x1000xf32, #tpu.memory_space<vmem>>, vector<1600x1000xf32>
    tpu.vector_store %arg8[%swap3A_49, %swap3A_50], %concatenate3A_48 {strides = array<i32>} : memref<1600x1000xf32, #tpu.memory_space<vmem>>, vector<1600x1000xf32>,
    return
  }
}

module attributes {stable_mosaic.version = 14 : i64} {
  func.func @_fin_body(%arg0: memref<32x128xf32, #tpu.memory_space<vmem>>, %arg1: memref<1x1xf32, #tpu.memory_space<vmem>>) attributes {dimension_semantics = [], scalar_prefetch = 0 : i64, scratch_operands = 0 : i64, tpu.core_type = #tpu.core_type<tc>} {
    %get3A = arith.constant 0 : index
    %get3A_0 = arith.constant 0 : index
    %get3A_1 = vector.load %arg0[%get3A, %get3A_0] : memref<32x128xf32, #tpu.memory_space<vmem>>, vector<32x128xf32>
    %reduce_sum3A = vector.shape_cast %get3A_1 : vector<32x128xf32> to vector<1x32x128xf32>
    %reduce_sum3A_2 = arith.constant dense<0.000000e+00> : vector<1xf32>
    %reduce_sum3A_3 = vector.multi_reduction <add>, %reduce_sum3A, %reduce_sum3A_2 [1, 2] : vector<1x32x128xf32> to vector<1xf32>
    %reduce_sum3A_4 = vector.shape_cast %reduce_sum3A_3 : vector<1xf32> to vector<1x1x1xf32>
    %reduce_sum3A_5 = vector.extract %reduce_sum3A_4[0, 0, 0] : f32 from vector<1x1x1xf32>
    %div3A = arith.constant 5.120000e+04 : f32
    %div3A_6 = arith.divf %reduce_sum3A_5, %div3A : f32
    %broadcast_in_dim3A = vector.broadcast %div3A_6 : f32 to vector<1x1xf32>
    %swap3A = arith.constant 0 : index
    %swap3A_7 = arith.constant 0 : index
    %swap3A_8 = vector.load %arg1[%swap3A, %swap3A_7] : memref<1x1xf32, #tpu.memory_space<vmem>>, vector<1x1xf32>
    tpu.vector_store %arg1[%swap3A, %swap3A_7], %broadcast_in_dim3A {strides = array<i32>} : memref<1x1xf32, #tpu.memory_space<vmem>>, vector<1x1xf32>,
    return
  }
}

module attributes {stable_mosaic.version = 14 : i64} {
  func.func @_main_body(%arg0: i32, %arg1: memref<1600x128xbf16, #tpu.memory_space<vmem>>, %arg2: memref<128x1000xbf16, #tpu.memory_space<vmem>>, %arg3: memref<1600x1000xf32, #tpu.memory_space<vmem>>, %arg4: memref<1600x1000xf32, #tpu.memory_space<vmem>>) attributes {dimension_semantics = [#tpu.dimension_semantics<arbitrary>], iteration_bounds = array<i64: 32>, scalar_prefetch = 0 : i64, scratch_operands = 0 : i64, tpu.core_type = #tpu.core_type<tc>, window_params = [{transform_indices = @transform_0, window_bounds = array<i64: 1600, 128>}, {pipeline_mode = #tpu.pipeline_mode<synchronous>, transform_indices = @transform_1, window_bounds = array<i64: 128, 1000>}, {pipeline_mode = #tpu.pipeline_mode<synchronous>, transform_indices = @transform_2, window_bounds = array<i64: 1600, 1000>}, {transform_indices = @transform_3, window_bounds = array<i64: 1600, 1000>}]} {
    %get3A = arith.constant 0 : index
    %get3A_0 = arith.constant 0 : index
    %get3A_1 = vector.load %arg1[%get3A, %get3A_0] : memref<1600x128xbf16, #tpu.memory_space<vmem>>, vector<1600x128xbf16>
    %get3A_2 = arith.constant 0 : index
    %get3A_3 = arith.constant 0 : index
    %get3A_4 = vector.load %arg2[%get3A_2, %get3A_3] : memref<128x1000xbf16, #tpu.memory_space<vmem>>, vector<128x1000xbf16>
    %dot_general3A = arith.constant dense<0.000000e+00> : vector<1600x1000xf32>
    %dot_general3A_5 = tpu.matmul %get3A_1, %get3A_4, %dot_general3A {dimension_numbers = #tpu.dot_dimension_numbers<[1], [0], [0], [1], [0, 0, 1, 1], [], []>, transpose_lhs_hint = false} : vector<1600x128xbf16>, vector<128x1000xbf16>, vector<1600x1000xf32> -> vector<1600x1000xf32>
    %get3A_6 = arith.constant 0 : index
    %get3A_7 = arith.constant 0 : index
    %get3A_8 = vector.load %arg3[%get3A_6, %get3A_7] : memref<1600x1000xf32, #tpu.memory_space<vmem>>, vector<1600x1000xf32>
    %add3A = arith.addf %dot_general3A_5, %get3A_8 : vector<1600x1000xf32>
    %swap3A = arith.constant 0 : index
    %swap3A_9 = arith.constant 0 : index
    %swap3A_10 = vector.load %arg4[%swap3A, %swap3A_9] : memref<1600x1000xf32, #tpu.memory_space<vmem>>, vector<1600x1000xf32>
    tpu.vector_store %arg4[%swap3A, %swap3A_9], %add3A {strides = array<i32>} : memref<1600x1000xf32, #tpu.memory_space<vmem>>, vector<1600x1000xf32>,
    return
  }
  func.func @transform_0(%arg0: i32) -> (i32, i32) {
    %c0_i32 = arith.constant 0 : i32
    %c0_i32_0 = arith.constant 0 : i32
    return %arg0, %c0_i32 : i32, i32
  }
  func.func @transform_1(%arg0: i32) -> (i32, i32) {
    %c0_i32 = arith.constant 0 : i32
    %c0_i32_0 = arith.constant 0 : i32
    %c0_i32_1 = arith.constant 0 : i32
    return %c0_i32, %c0_i32_0 : i32, i32
  }
  func.func @transform_2(%arg0: i32) -> (i32, i32) {
    %c0_i32 = arith.constant 0 : i32
    %c0_i32_0 = arith.constant 0 : i32
    %c0_i32_1 = arith.constant 0 : i32
    return %c0_i32, %c0_i32_0 : i32, i32
  }
  func.func @transform_3(%arg0: i32) -> (i32, i32) {
    %c0_i32 = arith.constant 0 : i32
    %c0_i32_0 = arith.constant 0 : i32
    return %arg0, %c0_i32 : i32, i32
  }
}

</mosaic_0001>

<sc_bundles>
// kernel: kernel.6.cloned.1.call-start
scs
__scs_entry_jumppad:
0x0: {  	(pc) =	sbr.rel $0x88, $3  }
0x1: {  	(tag) =	ssettag $0x0;
	lr =	simm.s32 $0x1  }
0x2: {  	[smem:$0x3F9B] =	sst lr;
	_ =	strace $0xD0000000  }
0x3: {  	_ = 	snop  }
0x4: {  	_ = 	snop  }
0x5: {  	_ = 	snop  }
0x6: {  	_ = 	snop  }
0x7: {  	_ = 	snop  }
__scs_overlays_trampoline_lowered:
0x8: {  	[smem:$0x3FAA] =	sst s0  }
0x9: {  	[smem:$0x3FAB] =	sst s1  }
0xa: {  	[smem:$0x3FAC] =	sst s2  }
0xb: {  	[smem:$0x3FAD] =	sst s3  }
0xc: {  	[smem:$0x3FAE] =	sst s4  }
0xd: {  	[smem:$0x3FAF] =	sst s5  }
0xe: {  	[smem:$0x3FB0] =	sst s6  }
0xf: {  	[smem:$0x3FB1] =	sst s7  }
0x10: {  	[smem:$0x3FB2] =	sst s8  }
0x11: {  	[smem:$0x3FB3] =	sst s9;
	s0 =	simm.s32 @!p0 $0x0  }
0x12: {  	s1 =	sld [smem:$0x3F99];
	s0 =	simm.s32 @p0 $0x1  }
0x13: {  	[smem:$0x3FB4] =	sst s0;
	s0 =	simm.s32 @!p1 $0x0  }
0x14: {  	s2 =	sld [smem:$0x3F98];
	s0 =	simm.s32 @p1 $0x1  }
0x15: {  	[smem:$0x3FB5] =	sst s0;
	s0 =	simm.s32 @!p2 $0x0  }
0x16: {  	s3 =	sld [smem:$0x3FDB];
	s0 =	simm.s32 @p2 $0x1  }
0x17: {  	s4 =	simm.s32 $0x1BF5;
	[smem:$0x3FB7] =	sst s0  }
0x18: {  	s0 =	sld [smem:$0x3F9A];
	_ =	swait.ge [sflag:s4], $0x0  }
0x19: {  	s7 =	sld [smem:$0x3F9B]  }
0x1a: {  	s8 =	sadd.s32 $0xFFFFE003, lr  }
0x1b: {  	s9 =	sadd.s32 $0xFFFFFEF7, lr;
	s5 =	simm.s32 $0xFFFFFFFF;
	p2 =	slt.u32 s8, $0xFFFFF086  }
0x1c: {  	p1 =	slt.u32 s9, $0xF7A;
	s5 =	simm.s32 @!p2 $0x0  }
0x1d: {  	s5 =	simm.s32 @p1 $0x1;
	p0 =	seq.s32 s7, s2  }
0x1e: {  	s7 =	smul.u32 @!p0 $0xF7A, s2;
	p2 =	seq.s32 @!p0 s5, $0x0  }
0x1f: {  	s9 =	smul.u32 $0xF7A, s1;
	s8 =	simm.s32 @!p0 $0x1BF5;
	p2 =	por !p2, p0  }
0x20: {  	[sflag:s8] =	ssyncset.s32 @!p0 $0xFFFFF086;
	s6 =	sadd.s32 @!p0 s3, s7;
	s7 =	simm.s32 @!p0 $0x108  }
0x21: {  	s3 =	sadd.s32 s3, s9;
	s6 =	sadd.s32 @!p0 $0x88, s6;
	s7 =	simm.s32 @p2 $0x1082  }
0x22: {  	[simem:s7], [sflag:s8] =	dma.local @!p0 [hbm:s6], $0xF7A  }
0x23: {  	s9 =	sor.u32 $0xD0000000, s2;
	s6 =	simm.s32 $0x108;
	_ =	swait.ge @!p0 [sflag:s8], $0x0  }
0x24: {  	s3 =	sadd.s32 $0x88, s3;
	s6 =	simm.s32 @!p1 $0x1082;
	[sflag:s4] =	ssyncset.s32 $0xFFFFF086  }
0x25: {  	[simem:s6], [sflag:s4] =	dma.local [hbm:s3], $0xF7A  }
0x26: {  	[smem:$0x3F9B] =	sst s1;
	(tag) =	ssettag s2;
	_ =	strace s9  }
0x27: {  	s1 =	sld [smem:$0x3FAB]  }
0x28: {  	s2 =	sld [smem:$0x3FAC]  }
0x29: {  	s4 =	sld [smem:$0x3FAE]  }
0x2a: {  	p0 =	seq.s32 s5, $0x0;
	s5 =	sld [smem:$0x3FAF]  }
0x2b: {  	s6 =	sld [smem:$0x3FB0]  }
0x2c: {  	s7 =	sld [smem:$0x3FB1]  }
0x2d: {  	s3 =	simm.s32 $0x108;
	s8 =	sld [smem:$0x3FB2]  }
0x2e: {  	s3 =	simm.s32 @!p0 $0x1082;
	s9 =	sld [smem:$0x3FB3]  }
0x2f: {  	lr =	sadd.s32 s0, s3;
	s0 =	sld [smem:$0x3FAA]  }
0x30: {  	s3 =	sld [smem:$0x3FAD]  }
0x31: {  	[smem:$0x3FB6] =	sst s10  }
0x32: {  	s10 =	sld [smem:$0x3FB4];
	_ =	sdelay $0x3  }
0x33: {  	p0 =	seq.s32 s10, $0x1;
	s10 =	sld [smem:$0x3FB6];
	_ =	sdelay $0x3  }
0x34: {  	[smem:$0x3FB6] =	sst s10  }
0x35: {  	s10 =	sld [smem:$0x3FB5];
	_ =	sdelay $0x3  }
0x36: {  	p1 =	seq.s32 s10, $0x1;
	s10 =	sld [smem:$0x3FB6];
	_ =	sdelay $0x3  }
0x37: {  	[smem:$0x3FB6] =	sst s10  }
0x38: {  	s10 =	sld [smem:$0x3FB7]  }
0x39: {  	_ = 	snop;
	(pc) =	sbr.ind lr, $3  }
0x3a: {  	_ = 	snop  }
0x3b: {  	_ = 	snop  }
0x3c: {  	p2 =	seq.s32 s10, $0x1;
	s10 =	sld [smem:$0x3FB6]  }
0x3d: {  	_ =	shalt  }
0x3e: {  	_ =	shalt  }
0x3f: {  	_ =	shalt  }
0x40: {  	_ =	shalt  }
0x41: {  	_ =	shalt  }
0x42: {  	_ =	shalt  }
0x43: {  	_ =	shalt  }
0x44: {  	_ =	shalt  }
0x45: {  	_ =	shalt  }
0x46: {  	_ =	shalt  }
0x47: {  	_ =	shalt  }
0x48: {  	_ =	shalt  }
0x49: {  	_ =	shalt  }
0x4a: {  	_ =	shalt  }
0x4b: {  	_ =	shalt  }
0x4c: {  	_ =	shalt  }
0x4d: {  	_ =	shalt  }
0x4e: {  	_ =	shalt  }
0x4f: {  	_ =	shalt  }
0x50: {  	_ =	shalt  }
0x51: {  	_ =	shalt  }
0x52: {  	_ =	shalt  }
0x53: {  	_ =	shalt  }
0x54: {  	_ =	shalt  }
0x55: {  	_ =	shalt  }
0x56: {  	_ =	shalt  }
0x57: {  	_ =	shalt  }
0x58: {  	_ =	shalt  }
0x59: {  	_ =	shalt  }
0x5a: {  	_ =	shalt  }
0x5b: {  	_ =	shalt  }
0x5c: {  	_ =	shalt  }
0x5d: {  	_ =	shalt  }
0x5e: {  	_ =	shalt  }
0x5f: {  	_ =	shalt  }
0x60: {  	_ =	shalt  }
0x61: {  	_ =	shalt  }
0x62: {  	_ =	shalt  }
0x63: {  	_ =	shalt  }
0x64: {  	_ =	shalt  }
0x65: {  	_ =	shalt  }
0x66: {  	_ =	shalt  }
0x67: {  	_ =	shalt  }
0x68: {  	_ =	shalt  }
0x69: {  	_ =	shalt  }
0x6a: {  	_ =	shalt  }
0x6b: {  	_ =	shalt  }
0x6c: {  	_ =	shalt  }
0x6d: {  	_ =	shalt  }
0x6e: {  	_ =	shalt  }
0x6f: {  	_ =	shalt  }
0x70: {  	_ =	shalt  }
0x71: {  	_ =	shalt  }
0x72: {  	_ =	shalt  }
0x73: {  	_ =	shalt  }
0x74: {  	_ =	shalt  }
0x75: {  	_ =	shalt  }
0x76: {  	_ =	shalt  }
0x77: {  	_ =	shalt  }
0x78: {  	_ =	shalt  }
0x79: {  	_ =	shalt  }
0x7a: {  	_ =	shalt  }
0x7b: {  	_ =	shalt  }
0x7c: {  	_ =	shalt  }
0x7d: {  	_ =	shalt  }
0x7e: {  	_ =	shalt  }
0x7f: {  	_ =	shalt  }
0x80: {  	_ =	shalt  }
0x81: {  	_ =	shalt  }
0x82: {  	_ =	shalt  }
0x83: {  	_ =	shalt  }
0x84: {  	_ =	shalt  }
0x85: {  	_ =	shalt  }
0x86: {  	_ =	shalt  }
0x87: {  	_ =	shalt  }
.Lfunc_end0:
.L_simem_size_0:
called_computation_lowered:
.L_overlay_start_0:
0x88: {  	s2 =	sld [smem:$0x3FD9]  }
0x89: {  	s3 =	sld [smem:$0x3FFE];
	_ =	sdelay $0x1  }
0x8a: {  	s1 =	srdreg.scid  }
0x8b: {  	s0 =	sand.u32 $0x1, s1  }
0x8c: {  	s14 =	sshll.u32 s0, $0xA;
	s2 =	sadd.s32 s3, s2  }
0x8d: {  	s2 =	sadd.s32 s2, s14  }
0x8e: {  	[smem:$0x3FC2] =	sst s2  }
0x8f: {  	_ = 	snop  }
0x90: {  	s2 =	sld [smem:$0x3FD0];
	_ =	sdelay $0x2  }
0x91: {  	s15 =	simm.s32 $0xA;
	s4 =	simm.s32 $0x10  }
0x92: {  	[smem:s4], [sflag:s15] =	dma.local [hbm:s2], $0x1  }
0x93: {  	_ =	swait.eq [sflag:s15], $0x1  }
0x94: {  	[sflag:s15] =	ssyncset.done $0x0  }
0x95: {  	[sflag:s15] =	ssyncadd.s32 $0xFFFFFFFF  }
0x96: {  	s16 =	sld [smem:$0x10];
	(tm) =	ssettm $0x1  }
0x97: {  	s17 =	sld [smem:$0x3FFB];
	_ =	sdelay $0x3  }
0x98: {  	_ =	strace s17  }
0x99: {  	s3 =	sld [smem:$0x3FFC];
	_ =	sdelay $0x3  }
0x9a: {  	_ =	strace s3  }
0x9b: {  	s3 =	sld [smem:$0x3FFD];
	_ =	sdelay $0x3  }
0x9c: {  	_ =	strace s3  }
0x9d: {  	_ =	strace $0x8FFFFFFF  }
0x9e: {  	s18 =	sld [smem:$0x3FDB];
	_ =	sdelay $0x1  }
0x9f: {  	s19 =	simm.s32 $_scs_section_size  }
0xa0: {  	s5 =	simm.s32 $_size__tile_overlayer_lowered;
	s6 =	simm.s32 $_tile_overlayer_lowered  }
0xa1: {  	s22 =	simm.s32 $0x1BFF;
	s21 =	sshll.u32 s6, $0x1;
	s3 =	sadd.s32 s19, s18  }
0xa2: {  	s7 =	simm.s32 $0x0;
	s20 =	sshll.u32 s5, $0x1;
	s5 =	sadd.s32 s21, s3  }
0xa3: {  	[timem:s7], [sflag:s22] =	dma.local [hbm:s5], s20  }
0xa4: {  	_ =	swait.ge [sflag:s22], s20  }
0xa5: {  	s4 =	ssub.s32 $0x0, s20;
	[sflag:s22] =	ssyncset.done $0x0  }
0xa6: {  	[sflag:s22] =	ssyncadd.s32 s4;
	_ =	sdelay $0x1  }
0xa7: {  	s23 =	simm.s32 $0x1B8B  }
0xa8: {  	_ =	swait.ge [sflag:s23], $0x1  }
0xa9: {  	[sflag:s23] =	ssyncset.done $0x0  }
0xaa: {  	s25 =	simm.s32 $0x1B8E;
	s24 =	sld [smem:$0x3FFE];
	[sflag:s23] =	ssyncadd.s32 $0xFFFFFFFF  }
0xab: {  	s26 =	simm.s32 $execute0_lowered;
	[smem:$0x3FD2] =	sst s25  }
0xac: {  	s5 =	sshll.u32 s26, $0x1;
	_ =	strace $0x80000046;
	[dreg:$0x1] =	wrdreg $0xFFFFFFFF  }
0xad: {  	s28 =	simm.s32 $_size_execute0_lowered;
	s3 =	sadd.s32 s3, s5;
	[dreg:$0x0] =	wrdreg $0x0  }
0xae: {  	s5 =	sshll.u32 s28, $0x1;
	[dreg:$0x2] =	wrdreg s3  }
0xaf: {  	[dreg:$0x3] =	wrdreg s5  }
0xb0: {  	[dreg:$0x4] =	wrdreg $0xC0  }
0xb1: {  	_ =	task [dreg:s7], $0x5FFFF  }
0xb2: {  	[dreg:$0x1] =	wrdreg $0xFFFFFFFF  }
0xb3: {  	[dreg:$0x0] =	wrdreg $0x60  }
0xb4: {  	[dreg:$0x2] =	wrdreg s24  }
0xb5: {  	[dreg:$0x3] =	wrdreg s16  }
0xb6: {  	[dreg:$0x4] =	wrdreg $0x9  }
0xb7: {  	_ =	task.clear_ibuf [dreg:s7], $0x5FFFF;
	_ =	strace $0x90000046  }
0xb8: {  	s29 =	simm.s32 $0x9;
	_ =	strace $0x80000048  }
0xb9: {  	_ =	swait.ge [sflag:s29], $0x1  }
0xba: {  	[sflag:s29] =	ssyncadd.s32 $0xFFFFFFFF  }
0xbb: {  	_ =	strace $0x90000048  }
0xbc: {  	_ =	sfence  }
0xbd: {  	s30 =	sld [smem:$0x0];
	_ =	sdelay $0x2  }
0xbe: {  	s31 =	sshll.u32 s1, $0xD;
	s1 =	sshrl.u32 s1, $0x2  }
0xbf: {  	s3 =	sand.u32 $0x4000, s31;
	s1 =	sadd.s32 s1, s30  }
0xc0: {  	s0 =	sor.u32 s3, s0;
	s1 =	sshll.u32 s1, $0x11  }
0xc1: {  	s0 =	sor.u32 s1, s0  }
0xc2: {  	s0 =	sadd.s32 $0x8F2B, s0  }
0xc3: {  	[sflag:s0] =	ssyncadd.remote.s32 $0x1  }
0xc4: {  	_ =	sfence.sel $0xFFFF  }
0xc5: {  	[dreg:$0x0] =	wrdreg $0xFFFFFFFF;
	(pc) =	sbr.abs _section_cstart, $3  }
0xc6: {  	[dreg:$0x1] =	wrdreg $0xFFFFFFFF  }
0xc7: {  	_ =	task.clear_ibuf [dreg:s7], $0x2FFFF;
	_ =	strace $0x9FFFFFFF  }
0xc8: {  	(tm) =	ssettm $0x7FFFFFFF  }
0xc9: {  	_ =	shalt  }
tec
execute0_lowered:
.L_overlay_start_1:
0x0: {  	(tag) =	ssettag $0x1  }
0x1: {  	s0 =	rddreg [dreg:$0x0];
	s1 =	srdreg.scid  }
0x2: {  	s3 =	stileid.u32;
	s2 =	rddreg [dreg:$0x1];
	s13 =	simm.s32 $0xD00  }
0x3: {  	s14 =	simm.s32 $0x1;
	s15 =	simm.s32 $0x50;
	s16 =	simm.s32 $0xD080  }
0x4: {  	s17 =	simm.s32 $0x12080;
	s18 =	simm.s32 $0xF880;
	s19 =	simm.s32 $0x14880  }
0x5: {  	s20 =	simm.s32 $0x2;
	s21 =	simm.s32 $0x4;
	s22 =	simm.s32 $0x17080  }
0x6: {  	s23 =	simm.s32 $0x6;
	s1 =	sand.u32 $0x1, s1;
	s4 =	sshll.u32 s3, $0x1  }
0x7: {  	s24 =	simm.s32 $0x3;
	s25 =	simm.s32 $0x5;
	s7 =	sor.u32 s1, s4  }
0x8: {  	s28 =	simm.s32 $0x0;
	s3 =	simm.s32 $0x0;
	s4 =	smul.u32 $0x640, s7  }
0x9: {  	s5 =	sadd.s32 $0x4C00, s0;
	s6 =	sadd.s32 $0x8C00, s0;
	s9 =	sadd.s32 $0xCC00, s0  }
0xa: {  	[smem:$0x7FF] =	sst s3;
	s1 =	ssub.s32 $0x2, s1;
	s8 =	sshrl.u32 s4, $0x3  }
0xb: {  	v0 =	vlaneseq.u32;
	_ =	strace $0x80000047;
	s7 =	sshll.u32 s7, $0x4;
	s8 =	sadd.s32 s8, s0  }
0xc: {  	v1 =	vimm.bf16 $0.0e+00;
	v11 =	vimm.f32 $0.0e+00;
	v10 =	vmul.u32 $0x80, v0;
	[dreg:$0x3] =	wrdreg s9;
	s26 =	sshrl.u32 s1, $0x1;
	s30 =	sadd.s32 $0x1800, s8  }
0xd: {  	v3 =	vor.u32 $0x10, v0;
	v5 =	vor.u32 $0x20, v0;
	v7 =	vor.u32 $0x30, v0;
	s0 =	sadd.s32 s7, s0;
	s31 =	sadd.s32 $0x3200, s8;
	[dreg:$0x4] =	wrdreg s30  }
0xe: {  	v9 =	vor.u32 $0x40, v0;
	v2 =	vor.u32 $0x40, v10;
	v4 =	vor.u32 $0x840, v10;
	s1 =	ssub.s32 s1, s26;
	s0 =	sadd.s32 $0xE600, s0;
	[dreg:$0x5] =	wrdreg s31  }
0xf: {  	s29 =	simm.s32 $0x0;
	v6 =	vor.u32 $0x1040, v10;
	v8 =	vor.u32 $0x1840, v10;
	v10 =	vor.u32 $0x2040, v10;
	s11 =	smax.u32 s1, $0x1;
	[dreg:$0x6] =	wrdreg s0  }
.LBB2_1:
0x10: {  	s0 =	rddreg [dreg:$0x4]  }
0x11: {  	[tilespmem:s3], [sflag:$0x1] =	stream.linear.gather [hbm4b:s0+s3], $0x640, $0x38;
	[tilespmem:$0x18500] =	vst v63  }
0x12: {  	s30 =	rddreg [dreg:$0x5];
	s1 =	simm.s32 $0x680  }
0x13: {  	[tilespmem:s1], [sflag:$0x1] =	stream.linear.gather [hbm4b:s30+s3], $0x640, $0x38;
	[tilespmem:$0x18500] =	vst v63  }
0x14: {  	s31 =	rddreg [dreg:$0x3]  }
0x15: {  	[tilespmem:s13], [sflag:$0x1] =	stream.linear.gather [hbm4b:s31+s3], $0xC380, $0x38;
	[tilespmem:$0x18500] =	vst v63  }
0x16: {  	_ =	swait.ge [sflag:s14], $0x640  }
0x17: {  	[sflag:s14] =	ssyncset.done $0x0  }
0x18: {  	[sflag:s14] =	ssyncadd.s32 $0xFFFFF9C0  }
0x19: {  	_ =	swait.ge [sflag:s14], $0x640  }
0x1a: {  	[sflag:s14] =	ssyncset.done $0x0  }
0x1b: {  	[sflag:s14] =	ssyncadd.s32 $0xFFFFF9C0  }
0x1c: {  	_ =	swait.ge [sflag:s14], $0xC380  }
0x1d: {  	[sflag:s14] =	ssyncset.done $0x0  }
0x1e: {  	s0 =	simm.s32 $0x0;
	s1 =	simm.s32 $0x0;
	[sflag:s14] =	ssyncadd.s32 $0xFFFF3C80  }
.LBB2_2:
0x1f: {  	p0 =	sne.s32 s1, $0x4F  }
.Ltmp0:
0x20: {  	s7 =	sand.u32 $0x3F00, s0;
	(pc) =	sbr.rel @p0 .LBB2_2-.Ltmp0, $4  }
0x21: {  	s7 =	sshrl.u32 s7, $0x1  }
0x22: {  	s7 =	sadd.s32 $0x17080, s7  }
0x23: {  	[tilespmem:s7+$0x40] =	vst v1  }
0x24: {  	s0 =	sadd.s32 $0x80, s0;
	s1 =	sadd.s32 $0x1, s1;
	[tilespmem:s7+$0x60] =	vst v1  }
0x25: {  	v12 =	vimm.f32 $0.0e+00;
	s30 =	simm.s32 $0x0  }
.LBB2_4:
0x26: {  	s31 =	smul.u32 $0xA0, s30;
	_ =	sdelay $0x1  }
0x27: {  	[tilespmem:s16], [sflag:$0x2] =	stream.indirect.gather [hbm4b:s5+s15], $0x80, s31, s15, $0xb8;
	[tilespmem:$0x18500] =	vst v63  }
0x28: {  	s0 =	sadd.s32 $0x680, s31  }
0x29: {  	[tilespmem:s17], [sflag:$0x4] =	stream.indirect.gather [hbm4b:s6+s15], $0x80, s0, s15, $0xb8;
	[tilespmem:$0x18500] =	vst v63  }
0x2a: {  	s1 =	sadd.s32 $0x50, s31  }
0x2b: {  	[tilespmem:s18], [sflag:$0x3] =	stream.indirect.gather [hbm4b:s5+s15], $0x80, s1, s15, $0xb8;
	[tilespmem:$0x18500] =	vst v63  }
0x2c: {  	s10 =	sadd.s32 $0x6D0, s31  }
0x2d: {  	[tilespmem:s19], [sflag:$0x5] =	stream.indirect.gather [hbm4b:s6+s15], $0x80, s10, s15, $0xb8;
	[tilespmem:$0x18500] =	vst v63  }
0x2e: {  	_ =	swait.ge [sflag:s20], $0x2800  }
0x2f: {  	s0 =	sadd.s32 s4, s31;
	[sflag:s20] =	ssyncset.done $0x0  }
0x30: {  	v13 =	vor.u32 s0, v0;
	[sflag:s20] =	ssyncadd.s32 $0xFFFFD800  }
0x31: {  	v14 =	vmulhi.u32 $0x51EB851F, v13;
	_ =	swait.ge [sflag:s21], $0x2800  }
0x32: {  	[sflag:s21] =	ssyncset.done $0x0  }
0x33: {  	v14 =	vshrl.u32 v14, $0x4;
	[sflag:s21] =	ssyncadd.s32 $0xFFFFD800  }
0x34: {  	v15 =	vor.u32 s0, v3;
	v14 =	vmul.u32 $0x32, v14;
	v16 =	vld [tilespmem:s31+$0x680]  }
0x35: {  	v18 =	vadd.s32 s0, v5;
	v17 =	vmulhi.u32 $0x51EB851F, v15  }
0x36: {  	v20 =	vmulhi.u32 $0x51EB851F, v18;
	v13 =	vsub.s32 v13, v14  }
0x37: {  	v17 =	vshrl.u32 v17, $0x4;
	v14 =	vor.u32 v2, v13;
	v13 =	vmul.u32 $0x3E8, v13  }
0x38: {  	v17 =	vmul.u32 $0x32, v17;
	v19 =	vld [tilespmem:s31+$0x690]  }
0x39: {  	v23 =	vadd.s32 s0, v9;
	v20 =	vshrl.u32 v20, $0x4;
	v13 =	vadd.s32 v13, v16  }
0x3a: {  	v20 =	vmul.u32 $0x32, v20;
	v15 =	vsub.s32 v15, v17;
	v16 =	vadd.s32 s0, v7  }
0x3b: {  	v17 =	vor.u32 v4, v15;
	v15 =	vmul.u32 $0x3E8, v15;
	v22 =	vld [tilespmem:s31+$0x6A0];
	v21 =	vmulhi.u32 $0x51EB851F, v16  }
0x3c: {  	v24 =	vmulhi.u32 $0x51EB851F, v23;
	v14 =	vld.idx.msk [tilespmem:v14+s16+$0x0], $0xffff  }
0x3d: {  	v18 =	vsub.s32 v18, v20;
	v20 =	vld [tilespmem:s31+$0x6B0];
	v15 =	vadd.s32 v15, v19;
	v21 =	vshrl.u32 v21, $0x4  }
0x3e: {  	v19 =	vmul.u32 $0x32, v21;
	v13 =	vld.idx.msk [tilespmem:v13+s13+$0x0], $0xffff  }
0x3f: {  	v24 =	vshrl.u32 v24, $0x4;
	v59 =	vmul.u32 $0x3E8, v18;
	v18 =	vor.u32 v6, v18;
	v60 =	vld [tilespmem:s31+$0x6C0]  }
0x40: {  	v17 =	vld.idx.msk [tilespmem:v17+s16+$0x0], $0xffff;
	v16 =	vsub.s32 v16, v19;
	v19 =	vmul.u32 $0x32, v24  }
0x41: {  	v12 =	vadd.f32 v14, v12;
	v21 =	vadd.s32 v59, v22;
	v61 =	vmul.u32 $0x3E8, v16  }
0x42: {  	v15 =	vld.idx.msk [tilespmem:v15+s13+$0x0], $0xffff;
	v16 =	vor.u32 v8, v16;
	v14 =	vsub.s32 v23, v19  }
0x43: {  	v19 =	vadd.s32 v61, v20;
	v20 =	vmul.u32 $0x3E8, v14;
	v12 =	vsub.f32 v12, v13  }
0x44: {  	s8 =	simm.s32 $0x120A0;
	v13 =	vor.u32 v10, v14;
	v14 =	vld.idx.msk [tilespmem:v18+s16+$0x0], $0xffff  }
0x45: {  	v18 =	vadd.s32 v20, v60;
	v20 =	vld [tilespmem:s8+$0xFFFFFFE0];
	v12 =	vadd.f32 v17, v12  }
0x46: {  	v17 =	vld.idx.msk [tilespmem:v21+s13+$0x0], $0xffff  }
0x47: {  	v16 =	vld.idx.msk [tilespmem:v16+s16+$0x0], $0xffff;
	v12 =	vsub.f32 v12, v15  }
0x48: {  	s7 =	simm.s32 $0xD0A0;
	v15 =	vld.idx.msk [tilespmem:v19+s13+$0x0], $0xffff  }
0x49: {  	v19 =	vld [tilespmem:s7+$0xFFFFFFE0];
	v12 =	vadd.f32 v14, v12  }
0x4a: {  	v13 =	vld.idx.msk [tilespmem:v13+s16+$0x0], $0xffff  }
0x4b: {  	v14 =	vld.idx.msk [tilespmem:v18+s13+$0x0], $0xffff;
	v12 =	vsub.f32 v12, v17  }
0x4c: {  	v18 =	vld [tilespmem:s7+$0x10]  }
0x4d: {  	v17 =	vld [tilespmem:s7+$0xFFFFFFF0];
	v12 =	vadd.f32 v16, v12  }
0x4e: {  	v16 =	vld [tilespmem:s7+$0x0]  }
0x4f: {  	v12 =	vsub.f32 v12, v15  }
0x50: {  	v15 =	vld [tilespmem:s8+$0xFFFFFFF0]  }
0x51: {  	s12 =	sand.u32 $0x3F00, s29;
	v12 =	vadd.f32 v13, v12  }
0x52: {  	v63 =	vld [tilespmem:s8+$0x0];
	s7 =	sshrl.u32 s12, $0x1;
	v13 =	vpack.i.f32.bf16 v17, v19  }
0x53: {  	v62 =	vld [tilespmem:s8+$0x10];
	s26 =	sadd.s32 $0x17080, s7;
	[tilespmem:s7+$0x17080] =	vst v13;
	v13 =	vpack.i.f32.bf16 v18, v16;
	v12 =	vsub.f32 v12, v14;
	v14 =	vmul.f32 v20, v19  }
0x54: {  	s12 =	simm.s32 $0xD120;
	[tilespmem:s26+$0x20] =	vst v13  }
0x55: {  	v13 =	vld [tilespmem:s12+$0x10];
	v15 =	vmul.f32 v15, v17;
	v19 =	vsub.f32 v12, v14  }
0x56: {  	v14 =	vld [tilespmem:s12+$0x0]  }
0x57: {  	v12 =	vld [tilespmem:s12+$0xFFFFFFF0];
	v15 =	vsub.f32 v19, v15;
	v19 =	vmul.f32 v63, v16  }
0x58: {  	s26 =	simm.s32 $0x12120;
	v16 =	vld [tilespmem:s12+$0xFFFFFFE0]  }
0x59: {  	v18 =	vmul.f32 v62, v18;
	v17 =	vld [tilespmem:s26+$0xFFFFFFE0];
	v19 =	vsub.f32 v15, v19  }
0x5a: {  	s8 =	simm.s32 $0x0;
	s7 =	simm.s32 $0x2;
	v15 =	vld [tilespmem:s26+$0xFFFFFFF0]  }
.LBB2_5:
0x5b: {  	p0 =	sne.s32 s7, $0x4F;
	s7 =	sadd.s32 $0x1, s7;
	v18 =	vsub.f32 v19, v18;
	s8 =	sadd.s32 $0x80, s8;
	v19 =	vmov v14  }
0x5c: {  	v20 =	vld [tilespmem:s26+$0x10];
	s9 =	sand.u32 $0x3F00, s8  }
0x5d: {  	v21 =	vld [tilespmem:s26+$0x0];
	v14 =	vpack.i.f32.bf16 v12, v16;
	s9 =	sshrl.u32 s9, $0x1  }
0x5e: {  	v16 =	vmul.f32 v17, v16;
	s10 =	sadd.s32 $0x17080, s9;
	[tilespmem:s9+$0x17080] =	vst v14;
	v14 =	vpack.i.f32.bf16 v13, v19  }
0x5f: {  	s12 =	sadd.s32 $0x80, s12;
	s26 =	sadd.s32 $0x80, s26;
	[tilespmem:s10+$0x20] =	vst v14  }
0x60: {  	v15 =	vmul.f32 v15, v12;
	v22 =	vld [tilespmem:s12+$0x10];
	v16 =	vsub.f32 v18, v16  }
.Ltmp1:
0x61: {  	v14 =	vld [tilespmem:s12+$0x0];
	v18 =	vmul.f32 v20, v13;
	(pc) =	sbr.rel @p0 .LBB2_5-.Ltmp1, $4  }
0x62: {  	v12 =	vld [tilespmem:s12+$0xFFFFFFF0];
	v20 =	vsub.f32 v16, v15;
	v15 =	vmul.f32 v21, v19  }
0x63: {  	v16 =	vld [tilespmem:s12+$0xFFFFFFE0]  }
0x64: {  	v17 =	vld [tilespmem:s26+$0xFFFFFFE0];
	v19 =	vsub.f32 v20, v15  }
0x65: {  	v15 =	vld [tilespmem:s26+$0xFFFFFFF0];
	v13 =	vmov v22  }
0x66: {  	s7 =	sadd.s32 $0x80, s8  }
0x67: {  	s7 =	sand.u32 $0x3F00, s7  }
0x68: {  	v20 =	vld [tilespmem:s26+$0x10];
	v22 =	vpack.i.f32.bf16 v12, v16;
	s7 =	sshrl.u32 s7, $0x1  }
0x69: {  	v21 =	vld [tilespmem:s26+$0x0];
	v51 =	vpack.i.f32.bf16 v13, v14;
	s0 =	sshll.u32 s0, $0x3;
	s26 =	sadd.s32 $0x17080, s7;
	[tilespmem:s7+$0x17080] =	vst v22  }
0x6a: {  	s12 =	simm.s32 $0x0;
	s0 =	sadd.s32 s2, s0;
	[tilespmem:s26+$0x20] =	vst v51  }
0x6b: {  	[hbm4b:s0+s12] =	stream.linear.scatter [tilespmem:s22], [sflag:$0x6], $0x1400, $0x38;
	[tilespmem:$0x18500] =	vst v63  }
0x6c: {  	_ =	swait.ge [sflag:s23], $0x1400  }
0x6d: {  	[sflag:s23] =	ssyncset.done $0x0  }
0x6e: {  	[sflag:s23] =	ssyncadd.s32 $0xFFFFEC00  }
0x6f: {  	s0 =	sadd.s32 s4, s1;
	_ =	swait.ge [sflag:s24], $0x2800  }
0x70: {  	v52 =	vor.u32 s0, v0;
	[sflag:s24] =	ssyncset.done $0x0  }
0x71: {  	v23 =	vmulhi.u32 $0x51EB851F, v52;
	[sflag:s24] =	ssyncadd.s32 $0xFFFFD800  }
0x72: {  	_ =	swait.ge [sflag:s25], $0x2800  }
0x73: {  	v18 =	vsub.f32 v19, v18;
	v19 =	vshrl.u32 v23, $0x4;
	[sflag:s25] =	ssyncset.done $0x0  }
0x74: {  	v16 =	vmul.f32 v17, v16;
	v17 =	vmul.u32 $0x32, v19;
	v19 =	vadd.s32 s0, v3;
	[sflag:s25] =	ssyncadd.s32 $0xFFFFD800  }
0x75: {  	v24 =	vmulhi.u32 $0x51EB851F, v19;
	v53 =	vld [tilespmem:s1+$0x680]  }
0x76: {  	v12 =	vmul.f32 v15, v12;
	v16 =	vsub.f32 v18, v16;
	v13 =	vmul.f32 v20, v13  }
0x77: {  	v20 =	vadd.s32 s0, v5;
	v15 =	vsub.s32 v52, v17;
	v18 =	vshrl.u32 v24, $0x4  }
0x78: {  	v17 =	vor.u32 v2, v15;
	v15 =	vmul.u32 $0x3E8, v15;
	v18 =	vmul.u32 $0x32, v18  }
0x79: {  	v12 =	vsub.f32 v16, v12;
	v54 =	vmulhi.u32 $0x51EB851F, v20;
	v16 =	vld [tilespmem:s31+$0x6E0]  }
0x7a: {  	v18 =	vsub.s32 v19, v18;
	v19 =	vadd.s32 s0, v7;
	v15 =	vadd.s32 v15, v53  }
0x7b: {  	v14 =	vmul.f32 v21, v14;
	v21 =	vshrl.u32 v54, $0x4;
	v56 =	vmulhi.u32 $0x51EB851F, v19  }
0x7c: {  	v21 =	vmul.u32 $0x32, v21;
	v57 =	vld [tilespmem:s31+$0x6F0];
	v55 =	vor.u32 v4, v18;
	v18 =	vmul.u32 $0x3E8, v18  }
0x7d: {  	s8 =	sand.u32 $0xFE0, s31;
	v25 =	vadd.s32 s0, v9;
	v12 =	vsub.f32 v12, v14;
	v14 =	vld.idx.msk [tilespmem:v17+s18+$0x0], $0xffff;
	v17 =	vshrl.u32 v56, $0x4  }
0x7e: {  	v16 =	vadd.s32 v18, v16;
	v18 =	vsub.s32 v20, v21;
	v17 =	vmul.u32 $0x32, v17;
	v20 =	vld [tilespmem:s8+$0x700]  }
0x7f: {  	v58 =	vmulhi.u32 $0x51EB851F, v25;
	v12 =	vsub.f32 v12, v13;
	v13 =	vld.idx.msk [tilespmem:v15+s13+$0x0], $0xffff  }
0x80: {  	v17 =	vsub.s32 v19, v17;
	v15 =	vmul.u32 $0x3E8, v18;
	v18 =	vor.u32 v6, v18  }
0x81: {  	v59 =	vshrl.u32 v58, $0x4;
	v22 =	vld.idx.msk [tilespmem:v55+s18+$0x0], $0xffff;
	v61 =	vmul.u32 $0x3E8, v17;
	v17 =	vor.u32 v8, v17  }
0x82: {  	v60 =	vld [tilespmem:s31+$0x710];
	v19 =	vmul.u32 $0x32, v59;
	v12 =	vadd.f32 v14, v12;
	v15 =	vadd.s32 v15, v57  }
0x83: {  	v16 =	vld.idx.msk [tilespmem:v16+s13+$0x0], $0xffff  }
0x84: {  	v14 =	vsub.s32 v25, v19;
	v19 =	vadd.s32 v61, v20;
	v12 =	vsub.f32 v12, v13  }
0x85: {  	v20 =	vmul.u32 $0x3E8, v14;
	v13 =	vor.u32 v10, v14;
	v14 =	vld.idx.msk [tilespmem:v18+s18+$0x0], $0xffff  }
0x86: {  	v17 =	vld.idx.msk [tilespmem:v17+s18+$0x0], $0xffff;
	v12 =	vadd.f32 v22, v12  }
0x87: {  	s10 =	simm.s32 $0x148A0;
	v18 =	vadd.s32 v20, v60;
	v15 =	vld.idx.msk [tilespmem:v15+s13+$0x0], $0xffff  }
0x88: {  	v20 =	vld [tilespmem:s10+$0xFFFFFFE0];
	v12 =	vsub.f32 v12, v16  }
0x89: {  	s9 =	simm.s32 $0xF8A0;
	v16 =	vld.idx.msk [tilespmem:v19+s13+$0x0], $0xffff  }
0x8a: {  	v19 =	vld [tilespmem:s9+$0xFFFFFFE0];
	v12 =	vadd.f32 v14, v12  }
0x8b: {  	v13 =	vld.idx.msk [tilespmem:v13+s18+$0x0], $0xffff  }
0x8c: {  	v14 =	vld.idx.msk [tilespmem:v18+s13+$0x0], $0xffff;
	v12 =	vsub.f32 v12, v15  }
0x8d: {  	v18 =	vld [tilespmem:s9+$0x10]  }
0x8e: {  	v15 =	vld [tilespmem:s9+$0xFFFFFFF0];
	v12 =	vadd.f32 v17, v12  }
0x8f: {  	v17 =	vld [tilespmem:s9+$0x0]  }
0x90: {  	v12 =	vsub.f32 v12, v16  }
0x91: {  	v16 =	vld [tilespmem:s10+$0xFFFFFFF0]  }
0x92: {  	s26 =	sand.u32 $0x3F00, s12;
	v12 =	vadd.f32 v13, v12  }
0x93: {  	v63 =	vld [tilespmem:s10+$0x0];
	s1 =	sshrl.u32 s26, $0x1;
	v13 =	vpack.i.f32.bf16 v15, v19  }
0x94: {  	v62 =	vld [tilespmem:s10+$0x10];
	s31 =	sadd.s32 $0x17080, s1;
	v19 =	vmul.f32 v20, v19;
	[tilespmem:s1+$0x17080] =	vst v13;
	v13 =	vpack.i.f32.bf16 v18, v17;
	v14 =	vsub.f32 v12, v14  }
0x95: {  	s1 =	simm.s32 $0xF920;
	[tilespmem:s31+$0x20] =	vst v13  }
0x96: {  	v12 =	vld [tilespmem:s1+$0x10];
	v15 =	vmul.f32 v16, v15;
	v19 =	vsub.f32 v14, v19  }
0x97: {  	v14 =	vld [tilespmem:s1+$0x0]  }
0x98: {  	v13 =	vld [tilespmem:s1+$0xFFFFFFF0];
	v15 =	vsub.f32 v19, v15;
	v19 =	vmul.f32 v63, v17  }
0x99: {  	s26 =	simm.s32 $0x14920;
	v16 =	vld [tilespmem:s1+$0xFFFFFFE0]  }
0x9a: {  	v18 =	vmul.f32 v62, v18;
	v17 =	vld [tilespmem:s26+$0xFFFFFFE0];
	v19 =	vsub.f32 v15, v19  }
0x9b: {  	s7 =	simm.s32 $0x2;
	v15 =	vld [tilespmem:s26+$0xFFFFFFF0]  }
.LBB2_7:
0x9c: {  	p0 =	sne.s32 s7, $0x4F;
	s7 =	sadd.s32 $0x1, s7;
	v18 =	vsub.f32 v19, v18;
	s12 =	sadd.s32 $0x80, s12;
	v19 =	vmov v14  }
0x9d: {  	v20 =	vld [tilespmem:s26+$0x10];
	s8 =	sand.u32 $0x3F00, s12  }
0x9e: {  	v21 =	vld [tilespmem:s26+$0x0];
	v14 =	vpack.i.f32.bf16 v13, v16;
	s8 =	sshrl.u32 s8, $0x1  }
0x9f: {  	v16 =	vmul.f32 v17, v16;
	s9 =	sadd.s32 $0x17080, s8;
	[tilespmem:s8+$0x17080] =	vst v14;
	v14 =	vpack.i.f32.bf16 v12, v19  }
0xa0: {  	s1 =	sadd.s32 $0x80, s1;
	s26 =	sadd.s32 $0x80, s26;
	[tilespmem:s9+$0x20] =	vst v14  }
0xa1: {  	v15 =	vmul.f32 v15, v13;
	v22 =	vld [tilespmem:s1+$0x10];
	v16 =	vsub.f32 v18, v16  }
.Ltmp2:
0xa2: {  	v14 =	vld [tilespmem:s1+$0x0];
	v18 =	vmul.f32 v20, v12;
	(pc) =	sbr.rel @p0 .LBB2_7-.Ltmp2, $4  }
0xa3: {  	v13 =	vld [tilespmem:s1+$0xFFFFFFF0];
	v20 =	vsub.f32 v16, v15;
	v15 =	vmul.f32 v21, v19  }
0xa4: {  	v16 =	vld [tilespmem:s1+$0xFFFFFFE0]  }
0xa5: {  	v17 =	vld [tilespmem:s26+$0xFFFFFFE0];
	v19 =	vsub.f32 v20, v15  }
0xa6: {  	v15 =	vld [tilespmem:s26+$0xFFFFFFF0];
	v12 =	vmov v22  }
0xa7: {  	_ =	sdelay $0x1  }
0xa8: {  	v20 =	vld [tilespmem:s26+$0x0]  }
0xa9: {  	v18 =	vsub.f32 v19, v18;
	s1 =	sadd.s32 $0x80, s12;
	v17 =	vmul.f32 v17, v16  }
0xaa: {  	v62 =	vld [tilespmem:s26+$0x10];
	s1 =	sand.u32 $0x3F00, s1  }
0xab: {  	s30 =	sadd.s32 $0x1, s30;
	v63 =	vpack.i.f32.bf16 v13, v16;
	s1 =	sshrl.u32 s1, $0x1;
	v13 =	vmul.f32 v15, v13;
	v17 =	vsub.f32 v18, v17  }
0xac: {  	s0 =	sshll.u32 s0, $0x3;
	p0 =	sne.s32 s30, $0xA;
	s7 =	sadd.s32 $0x17080, s1;
	[tilespmem:s1+$0x17080] =	vst v63;
	v15 =	vpack.i.f32.bf16 v12, v14  }
.Ltmp3:
0xad: {  	s0 =	sadd.s32 s2, s0;
	[tilespmem:s7+$0x20] =	vst v15;
	v14 =	vmul.f32 v20, v14;
	v13 =	vsub.f32 v17, v13;
	(pc) =	sbr.rel @p0 .LBB2_4-.Ltmp3, $4  }
0xae: {  	[hbm4b:s0+s3] =	stream.linear.scatter [tilespmem:s22], [sflag:$0x6], $0x1400, $0x38;
	[tilespmem:$0x18500] =	vst v63  }
0xaf: {  	v12 =	vmul.f32 v62, v12;
	_ =	swait.ge [sflag:s23], $0x1400;
	v13 =	vsub.f32 v13, v14  }
0xb0: {  	[sflag:s23] =	ssyncset.done $0x0  }
0xb1: {  	[sflag:s23] =	ssyncadd.s32 $0xFFFFEC00;
	v12 =	vsub.f32 v13, v12  }
0xb2: {  	[tilespmem:$0x18490] =	vst v11  }
0xb3: {  	[tilespmem:$0x184A0] =	vst v11  }
0xb4: {  	[tilespmem:$0x184B0] =	vst v11  }
0xb5: {  	[tilespmem:$0x184C0] =	vst v11  }
0xb6: {  	[tilespmem:$0x184D0] =	vst v11  }
0xb7: {  	[tilespmem:$0x184E0] =	vst v11;
	s28 =	sadd.s32 $0x1, s28  }
0xb8: {  	[tilespmem:$0x184F0] =	vst v11;
	p0 =	sne.s32 s28, s11  }
.Ltmp4:
0xb9: {  	s0 =	rddreg [dreg:$0x6];
	s1 =	simm.s32 $0x18480;
	[tilespmem:$0x18480] =	vst v12;
	(pc) =	sbr.rel @p0 .LBB2_1-.Ltmp4, $4  }
0xba: {  	[hbm4b:s0+s3] =	stream.linear.scatter [tilespmem:s1], [sflag:$0x6], $0x80, $0x38;
	[tilespmem:$0x18500] =	vst v63  }
0xbb: {  	_ =	swait.ge [sflag:s23], $0x80  }
0xbc: {  	[sflag:s23] =	ssyncset.done $0x0  }
0xbd: {  	[sflag:s23] =	ssyncadd.s32 $0xFFFFFF80  }
0xbe: {  	_ =	sfence.sel $0x180000  }
0xbf: {  	[bflag:$0x0] =	sbarrier.arrive $0xFFFF  }
0xc0: {  	_ =	strace $0x90000047  }
0xc1: {  	s0 =	stileid.u32;
	[bflag:$0x2] =	sbarrier.arrive $0xFFFF  }
0xc2: {  	p0 =	sne.s32 s0, $0x0;
	s0 =	rddreg [dreg:$0x2]  }
0xc3: {  	s0 =	sadd.s32 @!p0 $0x100000, s0  }
0xc4: {  	[sflag:s0] =	ssyncadd.tile.s32 @!p0 $0x1;
	_ =	shalt  }
.Lfunc_end2:
_tile_overlayer_lowered:
.L_overlay_start_2:
0xc5: {  	(tag) =	ssettag $0x2  }
0xc6: {  	s0 =	rddreg [dreg:$0x0];
	s2 =	stileid.u32  }
0xc7: {  	s1 =	rddreg [dreg:$0x1];
	p0 =	sne.s32 s2, $0x0  }
0xc8: {  	s3 =	rddreg [dreg:$0x2];
	[bflag:$0x3] =	sbarrier.arrive $0xFFFF;
	s2 =	simm.s32 @!p0 $0x1C06  }
0xc9: {  	[timem:s3], [sflag:s2] =	dma.local @!p0 [hbm:s0], s1  }
0xca: {  	s0 =	simm.s32 @!p0 $0x6  }
0xcb: {  	_ =	swait.ge @!p0 [sflag:s0], s1  }
0xcc: {  	s1 =	ssub.s32 @!p0 $0x0, s1;
	[sflag:s0] =	ssyncset.done @!p0 $0x0  }
0xcd: {  	[sflag:s0] =	ssyncadd.s32 @!p0 s1  }
0xce: {  	[bflag:$0x3] =	sbarrier.arrive $0xFFFF  }
0xcf: {  	_ =	shalt  }

</sc_bundles>
